<compile_context>
chip_gen: v7x
topology: tpu7x:2x2x1
jax: 0.10.2.dev20260603
libtpu: 0.0.44.dev20260713+nightly
codegen_flags: <defaults>
</compile_context>

<pallas_src>
import functools

import jax
import jax.numpy as jnp
from jax import lax
from jax.experimental import pallas as pl
from jax.experimental.pallas import tpu as pltpu
from jax.experimental.pallas import tpu_sc as plsc

_S_SC = 512
_BS = 512
_CH = 4


def _tc_body(pe_ref, x_ref, o_ref):
    o_ref[...] = x_ref[...] + pe_ref[...]


def _make_sc(B, S, D, S_tc):
    NC, NS = 2, 16
    NW = NC * NS
    rows_w = _S_SC // NW
    n_ch = rows_w // _CH
    mesh = plsc.VectorSubcoreMesh(
        core_axis_name="c", subcore_axis_name="s", num_cores=NC, num_subcores=NS
    )

    @functools.partial(
        pl.kernel,
        mesh=mesh,
        out_type=jax.ShapeDtypeStruct((B * _S_SC, D), jnp.float32),
        scratch_types=[
            pltpu.VMEM((B, 2, _CH, D), jnp.float32),
            pltpu.VMEM((2, _CH, D), jnp.float32),
            pltpu.SemaphoreType.DMA((B, 2)),
            pltpu.SemaphoreType.DMA((B, 2)),
            pltpu.SemaphoreType.DMA((2,)),
        ],
    )
    def k(x_hbm, pe_hbm, out_hbm, x_buf, pe_buf, in_sem, out_sem, pe_sem):
        wid = lax.axis_index("s") * NC + lax.axis_index("c")
        base0 = wid * rows_w

        def x_rows(c, b):
            return x_hbm.at[pl.ds(b * S + S_tc + base0 + c * _CH, _CH)]

        def out_rows(c, b):
            return out_hbm.at[pl.ds(b * _S_SC + base0 + c * _CH, _CH)]

        def pe_rows(c):
            return pe_hbm.at[pl.ds(S_tc + base0 + c * _CH, _CH)]

        pltpu.async_copy(pe_rows(0), pe_buf.at[0], pe_sem.at[0])
        for b in range(B):
            pltpu.async_copy(x_rows(0, b), x_buf.at[b, 0], in_sem.at[b, 0])

        def chunk_body(c, _):
            p = lax.rem(c, 2)
            pn = lax.rem(c + 1, 2)
            pltpu.make_async_copy(pe_rows(c), pe_buf.at[p], pe_sem.at[p]).wait()

            @pl.when(c + 1 < n_ch)
            def _():
                pltpu.async_copy(pe_rows(c + 1), pe_buf.at[pn], pe_sem.at[pn])

            for b in range(B):
                pltpu.make_async_copy(
                    x_rows(c, b), x_buf.at[b, p], in_sem.at[b, p]
                ).wait()

                @pl.when(c + 1 < n_ch)
                def _():
                    @pl.when(c > 0)
                    def _():
                        pltpu.make_async_copy(
                            x_buf.at[b, pn], out_rows(c - 1, b), out_sem.at[b, pn]
                        ).wait()

                    pltpu.async_copy(
                        x_rows(c + 1, b), x_buf.at[b, pn], in_sem.at[b, pn]
                    )

                for i in range(_CH):

                    @plsc.parallel_loop(0, D // 16, unroll=8)
                    def _add(j):
                        sl = pl.ds(j * 16, 16)
                        plsc.addupdate(x_buf.at[b, p, i, sl], pe_buf[p, i, sl])

                pltpu.async_copy(x_buf.at[b, p], out_rows(c, b), out_sem.at[b, p])
            return 0

        lax.fori_loop(0, n_ch, chunk_body, 0)

        pl_last = (n_ch - 1) % 2
        for b in range(B):
            pltpu.make_async_copy(
                x_buf.at[b, pl_last],
                out_rows(n_ch - 1, b),
                out_sem.at[b, pl_last],
            ).wait()

    return k


def kernel(x, abs_pe):
    B, S, D = x.shape
    S_tc = S - _S_SC
    nsb = S_tc // _BS
    x2 = x.reshape(B * S, D)
    pe2 = abs_pe.reshape(abs_pe.shape[1], D)

    tc_out = pl.pallas_call(
        _tc_body,
        grid=(nsb, B),
        in_specs=[
            pl.BlockSpec((_BS, D), lambda s, b: (s, 0)),
            pl.BlockSpec((_BS, D), lambda s, b: (b * (S // _BS) + s, 0)),
        ],
        out_specs=pl.BlockSpec((_BS, D), lambda s, b: (b * (S // _BS) + s, 0)),
        out_shape=jax.ShapeDtypeStruct((B * S, D), x.dtype),
        compiler_params=pltpu.CompilerParams(
            dimension_semantics=("arbitrary", "arbitrary"),
        ),
    )(pe2, x2)

    sc_out = _make_sc(B, S, D, S_tc)(x2, pe2)

    out = lax.dynamic_update_slice(
        tc_out.reshape(B, S, D), sc_out.reshape(B, _S_SC, D), (0, S_tc, 0)
    )
    return out

# --- scband reference (transcript-rebuilt; emitter-appended) ---
"""Pipeline reference for scband-position-embedding-35570919146064 (READ-ONLY COPY).

The authoritative reference and input builder live on the scoring server;
editing this copy changes nothing except your own understanding.
"""

import jax, jax.numpy as jnp
import numpy as np
import math

D_MODEL = 2048
MAX_LEN = 8192
BATCH = 4
SEQ_LEN = 4096

def _build_abs_pe(max_len, d_model):
    position = np.arange(0, max_len, dtype=np.float32)[:, None]
    div_term = np.exp(np.arange(0, d_model, 2).astype(np.float32) * (-math.log(10000.0) / d_model))
    pe = np.zeros((max_len, d_model), dtype=np.float32)
    pe[:, 0::2] = np.sin(position * div_term)
    pe[:, 1::2] = np.cos(position * div_term)
    return jnp.asarray(pe)[None, :, :]  # (1, max_len, d_model)

def setup_inputs(seed: int = 0) -> dict:
    key = jax.random.key(seed)
    x = jax.random.normal(key, (BATCH, SEQ_LEN, D_MODEL), dtype=jnp.float32)
    abs_pe = _build_abs_pe(MAX_LEN, D_MODEL)
    return {"x": x, "abs_pe": abs_pe}

def reference(x, abs_pe):
    # mode='absolute': x = x + abs_pe[:, :seq_len, :]
    seq_len = x.shape[1]
    return x + abs_pe[:, :seq_len, :]

if __name__ == "__main__":
    import jax
    _d = setup_inputs()
    print(jax.jit(kernel)(*tuple(_d.values())))

</pallas_src>

<mosaic_0001>
#map = affine_map<(d0, d1) -> (0, 0)>
module attributes {stable_mosaic.version = 14 : i64} {
  func.func @k(%arg0: i32, %arg1: i32, %arg2: memref<16384x2048xf32, #tpu.memory_space<hbm>>, %arg3: memref<8192x2048xf32, #tpu.memory_space<hbm>>, %arg4: memref<2048x2048xf32, #tpu.memory_space<hbm>>, %arg5: memref<4x2x4x2048xf32, #tpu.memory_space<vmem>>, %arg6: memref<2x4x2048xf32, #tpu.memory_space<vmem>>, %arg7: memref<4x2x!tpu.dma_semaphore, #tpu.memory_space<semaphore_mem>>, %arg8: memref<4x2x!tpu.dma_semaphore, #tpu.memory_space<semaphore_mem>>, %arg9: memref<2x!tpu.dma_semaphore, #tpu.memory_space<semaphore_mem>>) attributes {dimension_semantics = [#tpu.dimension_semantics<core_parallel>, #tpu.dimension_semantics<subcore_parallel>], iteration_bounds = array<i64: 2, 16>, scalar_prefetch = 0 : i64, scratch_operands = 5 : i64, tpu.core_type = #tpu.core_type<sc_vector_subcore>, window_params = [{transform_indices = #map}, {transform_indices = #map}, {transform_indices = #map}]} {
    %mul3A = arith.constant 2 : i32
    %mul3A_0 = arith.muli %arg1, %mul3A : i32
    %add3A = arith.addi %mul3A_0, %arg0 : i32
    %mul3A_1 = arith.constant 16 : i32
    %mul3A_2 = arith.muli %add3A, %mul3A_1 : i32
    %add3A_3 = arith.constant 3584 : i32
    %add3A_4 = arith.addi %add3A_3, %mul3A_2 : i32
    %add3A_5 = arith.constant 0 : i32
    %add3A_6 = arith.addi %add3A_4, %add3A_5 : i32
    %dma_start3A = arith.constant 0 : i32
    %dma_start3A_7 = arith.constant 0 : i32
    %dma_start3A_8 = arith.constant 0 : i32
    %dma_start3A_9 = arith.constant 0 : i32
    %dma_start3A_10 = tpu.memref_slice %arg6[%dma_start3A, %dma_start3A_8, %dma_start3A_9] : memref<2x4x2048xf32, #tpu.memory_space<vmem>> -> memref<1x4x2048xf32, #tpu.memory_space<vmem>>
    %dma_start3A_11 = tpu.memref_squeeze %dma_start3A_10 : memref<1x4x2048xf32, #tpu.memory_space<vmem>> -> memref<4x2048xf32, #tpu.memory_space<vmem>>
    %dma_start3A_12 = arith.constant 0 : i32
    %dma_start3A_13 = tpu.memref_slice %arg3[%add3A_6, %dma_start3A_12] : memref<8192x2048xf32, #tpu.memory_space<hbm>> -> memref<4x2048xf32, #tpu.memory_space<hbm>>
    %dma_start3A_14 = tpu.memref_slice %arg9[%dma_start3A_7] : memref<2x!tpu.dma_semaphore, #tpu.memory_space<semaphore_mem>> -> memref<1x!tpu.dma_semaphore, #tpu.memory_space<semaphore_mem>>
    %dma_start3A_15 = tpu.memref_squeeze %dma_start3A_14 : memref<1x!tpu.dma_semaphore, #tpu.memory_space<semaphore_mem>> -> memref<!tpu.dma_semaphore, #tpu.memory_space<semaphore_mem>>
    %dma_start3A_16 = arith.constant 0 : i32
    %dma_start3A_17 = arith.constant 0 : i32
    %dma_start3A_18 = tpu.memref_slice %arg6[%dma_start3A, %dma_start3A_16, %dma_start3A_17] : memref<2x4x2048xf32, #tpu.memory_space<vmem>> -> memref<1x4x2048xf32, #tpu.memory_space<vmem>>
    %dma_start3A_19 = tpu.memref_squeeze %dma_start3A_18 : memref<1x4x2048xf32, #tpu.memory_space<vmem>> -> memref<4x2048xf32, #tpu.memory_space<vmem>>
    %dma_start3A_20 = arith.constant 0 : i32
    %dma_start3A_21 = tpu.memref_slice %arg3[%add3A_6, %dma_start3A_20] : memref<8192x2048xf32, #tpu.memory_space<hbm>> -> memref<4x2048xf32, #tpu.memory_space<hbm>>
    tpu.enqueue_dma source(%dma_start3A_21 : memref<4x2048xf32, #tpu.memory_space<hbm>>) target(%dma_start3A_19 : memref<4x2048xf32, #tpu.memory_space<vmem>>) target_semaphore(%dma_start3A_15 : memref<!tpu.dma_semaphore, #tpu.memory_space<semaphore_mem>>)
    %add3A_22 = arith.constant 3584 : i32
    %add3A_23 = arith.addi %add3A_22, %mul3A_2 : i32
    %add3A_24 = arith.constant 0 : i32
    %add3A_25 = arith.addi %add3A_23, %add3A_24 : i32
    %dma_start3A_26 = arith.constant 0 : i32
    %dma_start3A_27 = arith.constant 0 : i32
    %dma_start3A_28 = arith.constant 0 : i32
    %dma_start3A_29 = arith.constant 0 : i32
    %dma_start3A_30 = arith.constant 0 : i32
    %dma_start3A_31 = arith.constant 0 : i32
    %dma_start3A_32 = tpu.memref_slice %arg5[%dma_start3A_26, %dma_start3A_27, %dma_start3A_30, %dma_start3A_31] : memref<4x2x4x2048xf32, #tpu.memory_space<vmem>> -> memref<1x1x4x2048xf32, #tpu.memory_space<vmem>>
    %dma_start3A_33 = tpu.memref_squeeze %dma_start3A_32 : memref<1x1x4x2048xf32, #tpu.memory_space<vmem>> -> memref<4x2048xf32, #tpu.memory_space<vmem>>
    %dma_start3A_34 = arith.constant 0 : i32
    %dma_start3A_35 = tpu.memref_slice %arg2[%add3A_25, %dma_start3A_34] : memref<16384x2048xf32, #tpu.memory_space<hbm>> -> memref<4x2048xf32, #tpu.memory_space<hbm>>
    %dma_start3A_36 = tpu.memref_slice %arg7[%dma_start3A_28, %dma_start3A_29] : memref<4x2x!tpu.dma_semaphore, #tpu.memory_space<semaphore_mem>> -> memref<1x1x!tpu.dma_semaphore, #tpu.memory_space<semaphore_mem>>
    %dma_start3A_37 = tpu.memref_squeeze %dma_start3A_36 : memref<1x1x!tpu.dma_semaphore, #tpu.memory_space<semaphore_mem>> -> memref<!tpu.dma_semaphore, #tpu.memory_space<semaphore_mem>>
    %dma_start3A_38 = arith.constant 0 : i32
    %dma_start3A_39 = arith.constant 0 : i32
    %dma_start3A_40 = tpu.memref_slice %arg5[%dma_start3A_26, %dma_start3A_27, %dma_start3A_38, %dma_start3A_39] : memref<4x2x4x2048xf32, #tpu.memory_space<vmem>> -> memref<1x1x4x2048xf32, #tpu.memory_space<vmem>>
    %dma_start3A_41 = tpu.memref_squeeze %dma_start3A_40 : memref<1x1x4x2048xf32, #tpu.memory_space<vmem>> -> memref<4x2048xf32, #tpu.memory_space<vmem>>
    %dma_start3A_42 = arith.constant 0 : i32
    %dma_start3A_43 = tpu.memref_slice %arg2[%add3A_25, %dma_start3A_42] : memref<16384x2048xf32, #tpu.memory_space<hbm>> -> memref<4x2048xf32, #tpu.memory_space<hbm>>
    tpu.enqueue_dma source(%dma_start3A_43 : memref<4x2048xf32, #tpu.memory_space<hbm>>) target(%dma_start3A_41 : memref<4x2048xf32, #tpu.memory_space<vmem>>) target_semaphore(%dma_start3A_37 : memref<!tpu.dma_semaphore, #tpu.memory_space<semaphore_mem>>)
    %add3A_44 = arith.constant 7680 : i32
    %add3A_45 = arith.addi %add3A_44, %mul3A_2 : i32
    %add3A_46 = arith.constant 0 : i32
    %add3A_47 = arith.addi %add3A_45, %add3A_46 : i32
    %dma_start3A_48 = arith.constant 1 : i32
    %dma_start3A_49 = arith.constant 0 : i32
    %dma_start3A_50 = arith.constant 1 : i32
    %dma_start3A_51 = arith.constant 0 : i32
    %dma_start3A_52 = arith.constant 0 : i32
    %dma_start3A_53 = arith.constant 0 : i32
    %dma_start3A_54 = tpu.memref_slice %arg5[%dma_start3A_48, %dma_start3A_49, %dma_start3A_52, %dma_start3A_53] : memref<4x2x4x2048xf32, #tpu.memory_space<vmem>> -> memref<1x1x4x2048xf32, #tpu.memory_space<vmem>>
    %dma_start3A_55 = tpu.memref_squeeze %dma_start3A_54 : memref<1x1x4x2048xf32, #tpu.memory_space<vmem>> -> memref<4x2048xf32, #tpu.memory_space<vmem>>
    %dma_start3A_56 = arith.constant 0 : i32
    %dma_start3A_57 = tpu.memref_slice %arg2[%add3A_47, %dma_start3A_56] : memref<16384x2048xf32, #tpu.memory_space<hbm>> -> memref<4x2048xf32, #tpu.memory_space<hbm>>
    %dma_start3A_58 = tpu.memref_slice %arg7[%dma_start3A_50, %dma_start3A_51] : memref<4x2x!tpu.dma_semaphore, #tpu.memory_space<semaphore_mem>> -> memref<1x1x!tpu.dma_semaphore, #tpu.memory_space<semaphore_mem>>
    %dma_start3A_59 = tpu.memref_squeeze %dma_start3A_58 : memref<1x1x!tpu.dma_semaphore, #tpu.memory_space<semaphore_mem>> -> memref<!tpu.dma_semaphore, #tpu.memory_space<semaphore_mem>>
    %dma_start3A_60 = arith.constant 0 : i32
    %dma_start3A_61 = arith.constant 0 : i32
    %dma_start3A_62 = tpu.memref_slice %arg5[%dma_start3A_48, %dma_start3A_49, %dma_start3A_60, %dma_start3A_61] : memref<4x2x4x2048xf32, #tpu.memory_space<vmem>> -> memref<1x1x4x2048xf32, #tpu.memory_space<vmem>>
    %dma_start3A_63 = tpu.memref_squeeze %dma_start3A_62 : memref<1x1x4x2048xf32, #tpu.memory_space<vmem>> -> memref<4x2048xf32, #tpu.memory_space<vmem>>
    %dma_start3A_64 = arith.constant 0 : i32
    %dma_start3A_65 = tpu.memref_slice %arg2[%add3A_47, %dma_start3A_64] : memref<16384x2048xf32, #tpu.memory_space<hbm>> -> memref<4x2048xf32, #tpu.memory_space<hbm>>
    tpu.enqueue_dma source(%dma_start3A_65 : memref<4x2048xf32, #tpu.memory_space<hbm>>) target(%dma_start3A_63 : memref<4x2048xf32, #tpu.memory_space<vmem>>) target_semaphore(%dma_start3A_59 : memref<!tpu.dma_semaphore, #tpu.memory_space<semaphore_mem>>)
    %add3A_66 = arith.constant 11776 : i32
    %add3A_67 = arith.addi %add3A_66, %mul3A_2 : i32
    %add3A_68 = arith.constant 0 : i32
    %add3A_69 = arith.addi %add3A_67, %add3A_68 : i32
    %dma_start3A_70 = arith.constant 2 : i32
    %dma_start3A_71 = arith.constant 0 : i32
    %dma_start3A_72 = arith.constant 2 : i32
    %dma_start3A_73 = arith.constant 0 : i32
    %dma_start3A_74 = arith.constant 0 : i32
    %dma_start3A_75 = arith.constant 0 : i32
    %dma_start3A_76 = tpu.memref_slice %arg5[%dma_start3A_70, %dma_start3A_71, %dma_start3A_74, %dma_start3A_75] : memref<4x2x4x2048xf32, #tpu.memory_space<vmem>> -> memref<1x1x4x2048xf32, #tpu.memory_space<vmem>>
    %dma_start3A_77 = tpu.memref_squeeze %dma_start3A_76 : memref<1x1x4x2048xf32, #tpu.memory_space<vmem>> -> memref<4x2048xf32, #tpu.memory_space<vmem>>
    %dma_start3A_78 = arith.constant 0 : i32
    %dma_start3A_79 = tpu.memref_slice %arg2[%add3A_69, %dma_start3A_78] : memref<16384x2048xf32, #tpu.memory_space<hbm>> -> memref<4x2048xf32, #tpu.memory_space<hbm>>
    %dma_start3A_80 = tpu.memref_slice %arg7[%dma_start3A_72, %dma_start3A_73] : memref<4x2x!tpu.dma_semaphore, #tpu.memory_space<semaphore_mem>> -> memref<1x1x!tpu.dma_semaphore, #tpu.memory_space<semaphore_mem>>
    %dma_start3A_81 = tpu.memref_squeeze %dma_start3A_80 : memref<1x1x!tpu.dma_semaphore, #tpu.memory_space<semaphore_mem>> -> memref<!tpu.dma_semaphore, #tpu.memory_space<semaphore_mem>>
    %dma_start3A_82 = arith.constant 0 : i32
    %dma_start3A_83 = arith.constant 0 : i32
    %dma_start3A_84 = tpu.memref_slice %arg5[%dma_start3A_70, %dma_start3A_71, %dma_start3A_82, %dma_start3A_83] : memref<4x2x4x2048xf32, #tpu.memory_space<vmem>> -> memref<1x1x4x2048xf32, #tpu.memory_space<vmem>>
    %dma_start3A_85 = tpu.memref_squeeze %dma_start3A_84 : memref<1x1x4x2048xf32, #tpu.memory_space<vmem>> -> memref<4x2048xf32, #tpu.memory_space<vmem>>
    %dma_start3A_86 = arith.constant 0 : i32
    %dma_start3A_87 = tpu.memref_slice %arg2[%add3A_69, %dma_start3A_86] : memref<16384x2048xf32, #tpu.memory_space<hbm>> -> memref<4x2048xf32, #tpu.memory_space<hbm>>
    tpu.enqueue_dma source(%dma_start3A_87 : memref<4x2048xf32, #tpu.memory_space<hbm>>) target(%dma_start3A_85 : memref<4x2048xf32, #tpu.memory_space<vmem>>) target_semaphore(%dma_start3A_81 : memref<!tpu.dma_semaphore, #tpu.memory_space<semaphore_mem>>)
    %add3A_88 = arith.constant 15872 : i32
    %add3A_89 = arith.addi %add3A_88, %mul3A_2 : i32
    %add3A_90 = arith.constant 0 : i32
    %add3A_91 = arith.addi %add3A_89, %add3A_90 : i32
    %dma_start3A_92 = arith.constant 3 : i32
    %dma_start3A_93 = arith.constant 0 : i32
    %dma_start3A_94 = arith.constant 3 : i32
    %dma_start3A_95 = arith.constant 0 : i32
    %dma_start3A_96 = arith.constant 0 : i32
    %dma_start3A_97 = arith.constant 0 : i32
    %dma_start3A_98 = tpu.memref_slice %arg5[%dma_start3A_92, %dma_start3A_93, %dma_start3A_96, %dma_start3A_97] : memref<4x2x4x2048xf32, #tpu.memory_space<vmem>> -> memref<1x1x4x2048xf32, #tpu.memory_space<vmem>>
    %dma_start3A_99 = tpu.memref_squeeze %dma_start3A_98 : memref<1x1x4x2048xf32, #tpu.memory_space<vmem>> -> memref<4x2048xf32, #tpu.memory_space<vmem>>
    %dma_start3A_100 = arith.constant 0 : i32
    %dma_start3A_101 = tpu.memref_slice %arg2[%add3A_91, %dma_start3A_100] : memref<16384x2048xf32, #tpu.memory_space<hbm>> -> memref<4x2048xf32, #tpu.memory_space<hbm>>
    %dma_start3A_102 = tpu.memref_slice %arg7[%dma_start3A_94, %dma_start3A_95] : memref<4x2x!tpu.dma_semaphore, #tpu.memory_space<semaphore_mem>> -> memref<1x1x!tpu.dma_semaphore, #tpu.memory_space<semaphore_mem>>
    %dma_start3A_103 = tpu.memref_squeeze %dma_start3A_102 : memref<1x1x!tpu.dma_semaphore, #tpu.memory_space<semaphore_mem>> -> memref<!tpu.dma_semaphore, #tpu.memory_space<semaphore_mem>>
    %dma_start3A_104 = arith.constant 0 : i32
    %dma_start3A_105 = arith.constant 0 : i32
    %dma_start3A_106 = tpu.memref_slice %arg5[%dma_start3A_92, %dma_start3A_93, %dma_start3A_104, %dma_start3A_105] : memref<4x2x4x2048xf32, #tpu.memory_space<vmem>> -> memref<1x1x4x2048xf32, #tpu.memory_space<vmem>>
    %dma_start3A_107 = tpu.memref_squeeze %dma_start3A_106 : memref<1x1x4x2048xf32, #tpu.memory_space<vmem>> -> memref<4x2048xf32, #tpu.memory_space<vmem>>
    %dma_start3A_108 = arith.constant 0 : i32
    %dma_start3A_109 = tpu.memref_slice %arg2[%add3A_91, %dma_start3A_108] : memref<16384x2048xf32, #tpu.memory_space<hbm>> -> memref<4x2048xf32, #tpu.memory_space<hbm>>
    tpu.enqueue_dma source(%dma_start3A_109 : memref<4x2048xf32, #tpu.memory_space<hbm>>) target(%dma_start3A_107 : memref<4x2048xf32, #tpu.memory_space<vmem>>) target_semaphore(%dma_start3A_103 : memref<!tpu.dma_semaphore, #tpu.memory_space<semaphore_mem>>)
    %scan3A = arith.constant 0 : i32
    %scan3A_110 = arith.constant 0 : i32
    %scan3A_111 = arith.constant 4 : i32
    %scan3A_112 = arith.addi %scan3A_110, %scan3A_111 : i32
    %scan3A_113 = arith.constant 1 : i32
    %scan3A_114 = scf.for %scan3A_203 = %scan3A_110 to %scan3A_112 step %scan3A_113 iter_args(%scan3A_204 = %scan3A) -> (i32)  : i32 {
      %rem3A = arith.constant 2 : i32
      %rem3A_205 = arith.remsi %scan3A_203, %rem3A : i32
      %add3A_206 = arith.constant 1 : i32
      %add3A_207 = arith.addi %scan3A_203, %add3A_206 : i32
      %rem3A_208 = arith.constant 2 : i32
      %rem3A_209 = arith.remsi %add3A_207, %rem3A_208 : i32
      %add3A_210 = arith.constant 3584 : i32
      %add3A_211 = arith.addi %add3A_210, %mul3A_2 : i32
      %mul3A_212 = arith.constant 4 : i32
      %mul3A_213 = arith.muli %scan3A_203, %mul3A_212 : i32
      %add3A_214 = arith.addi %add3A_211, %mul3A_213 : i32
      %dma_wait3A_215 = arith.constant 0 : i32
      %dma_wait3A_216 = arith.constant 0 : i32
      %dma_wait3A_217 = tpu.memref_slice %arg6[%rem3A_205, %dma_wait3A_215, %dma_wait3A_216] : memref<2x4x2048xf32, #tpu.memory_space<vmem>> -> memref<1x4x2048xf32, #tpu.memory_space<vmem>>
      %dma_wait3A_218 = tpu.memref_squeeze %dma_wait3A_217 : memref<1x4x2048xf32, #tpu.memory_space<vmem>> -> memref<4x2048xf32, #tpu.memory_space<vmem>>
      %dma_wait3A_219 = arith.constant 0 : i32
      %dma_wait3A_220 = tpu.memref_slice %arg3[%add3A_214, %dma_wait3A_219] : memref<8192x2048xf32, #tpu.memory_space<hbm>> -> memref<4x2048xf32, #tpu.memory_space<hbm>>
      %dma_wait3A_221 = tpu.memref_slice %arg9[%rem3A_205] : memref<2x!tpu.dma_semaphore, #tpu.memory_space<semaphore_mem>> -> memref<1x!tpu.dma_semaphore, #tpu.memory_space<semaphore_mem>>
      %dma_wait3A_222 = tpu.memref_squeeze %dma_wait3A_221 : memref<1x!tpu.dma_semaphore, #tpu.memory_space<semaphore_mem>> -> memref<!tpu.dma_semaphore, #tpu.memory_space<semaphore_mem>>
      %dma_wait3A_223 = arith.constant 0 : i32
      %dma_wait3A_224 = arith.constant 0 : i32
      %dma_wait3A_225 = tpu.memref_slice %arg6[%rem3A_205, %dma_wait3A_223, %dma_wait3A_224] : memref<2x4x2048xf32, #tpu.memory_space<vmem>> -> memref<1x4x2048xf32, #tpu.memory_space<vmem>>
      %dma_wait3A_226 = tpu.memref_squeeze %dma_wait3A_225 : memref<1x4x2048xf32, #tpu.memory_space<vmem>> -> memref<4x2048xf32, #tpu.memory_space<vmem>>
      %dma_wait3A_227 = arith.constant 0 : i32
      %dma_wait3A_228 = tpu.memref_slice %arg3[%add3A_214, %dma_wait3A_227] : memref<8192x2048xf32, #tpu.memory_space<hbm>> -> memref<4x2048xf32, #tpu.memory_space<hbm>>
      tpu.wait_dma2 semaphore(%dma_wait3A_222 : memref<!tpu.dma_semaphore, #tpu.memory_space<semaphore_mem>>) src(%dma_wait3A_228 : memref<4x2048xf32, #tpu.memory_space<hbm>>) dst(%dma_wait3A_226 : memref<4x2048xf32, #tpu.memory_space<vmem>>)
      %add3A_229 = arith.constant 1 : i32
      %add3A_230 = arith.addi %scan3A_203, %add3A_229 : i32
      %lt3A = arith.constant 4 : i32
      %lt3A_231 = arith.cmpi slt, %add3A_230, %lt3A : i32
      %convert_element_type3A = arith.extui %lt3A_231 : i1 to i32
      %cond3A = arith.constant 0 : i32
      %cond3A_232 = arith.cmpi ne, %convert_element_type3A, %cond3A : i32
      scf.if %cond3A_232 {
        %add3A_477 = arith.constant 1 : i32
        %add3A_478 = arith.addi %scan3A_203, %add3A_477 : i32
        %add3A_479 = arith.constant 3584 : i32
        %add3A_480 = arith.addi %add3A_479, %mul3A_2 : i32
        %mul3A_481 = arith.constant 4 : i32
        %mul3A_482 = arith.muli %add3A_478, %mul3A_481 : i32
        %add3A_483 = arith.addi %add3A_480, %mul3A_482 : i32
        %dma_start3A_484 = arith.constant 0 : i32
        %dma_start3A_485 = arith.constant 0 : i32
        %dma_start3A_486 = tpu.memref_slice %arg6[%rem3A_209, %dma_start3A_484, %dma_start3A_485] : memref<2x4x2048xf32, #tpu.memory_space<vmem>> -> memref<1x4x2048xf32, #tpu.memory_space<vmem>>
        %dma_start3A_487 = tpu.memref_squeeze %dma_start3A_486 : memref<1x4x2048xf32, #tpu.memory_space<vmem>> -> memref<4x2048xf32, #tpu.memory_space<vmem>>
        %dma_start3A_488 = arith.constant 0 : i32
        %dma_start3A_489 = tpu.memref_slice %arg3[%add3A_483, %dma_start3A_488] : memref<8192x2048xf32, #tpu.memory_space<hbm>> -> memref<4x2048xf32, #tpu.memory_space<hbm>>
        %dma_start3A_490 = tpu.memref_slice %arg9[%rem3A_209] : memref<2x!tpu.dma_semaphore, #tpu.memory_space<semaphore_mem>> -> memref<1x!tpu.dma_semaphore, #tpu.memory_space<semaphore_mem>>
        %dma_start3A_491 = tpu.memref_squeeze %dma_start3A_490 : memref<1x!tpu.dma_semaphore, #tpu.memory_space<semaphore_mem>> -> memref<!tpu.dma_semaphore, #tpu.memory_space<semaphore_mem>>
        %dma_start3A_492 = arith.constant 0 : i32
        %dma_start3A_493 = arith.constant 0 : i32
        %dma_start3A_494 = tpu.memref_slice %arg6[%rem3A_209, %dma_start3A_492, %dma_start3A_493] : memref<2x4x2048xf32, #tpu.memory_space<vmem>> -> memref<1x4x2048xf32, #tpu.memory_space<vmem>>
        %dma_start3A_495 = tpu.memref_squeeze %dma_start3A_494 : memref<1x4x2048xf32, #tpu.memory_space<vmem>> -> memref<4x2048xf32, #tpu.memory_space<vmem>>
        %dma_start3A_496 = arith.constant 0 : i32
        %dma_start3A_497 = tpu.memref_slice %arg3[%add3A_483, %dma_start3A_496] : memref<8192x2048xf32, #tpu.memory_space<hbm>> -> memref<4x2048xf32, #tpu.memory_space<hbm>>
        tpu.enqueue_dma source(%dma_start3A_497 : memref<4x2048xf32, #tpu.memory_space<hbm>>) target(%dma_start3A_495 : memref<4x2048xf32, #tpu.memory_space<vmem>>) target_semaphore(%dma_start3A_491 : memref<!tpu.dma_semaphore, #tpu.memory_space<semaphore_mem>>)
      } else {
      }
      %add3A_233 = arith.constant 3584 : i32
      %add3A_234 = arith.addi %add3A_233, %mul3A_2 : i32
      %mul3A_235 = arith.constant 4 : i32
      %mul3A_236 = arith.muli %scan3A_203, %mul3A_235 : i32
      %add3A_237 = arith.addi %add3A_234, %mul3A_236 : i32
      %dma_wait3A_238 = arith.constant 0 : i32
      %dma_wait3A_239 = arith.constant 0 : i32
      %dma_wait3A_240 = arith.constant 0 : i32
      %dma_wait3A_241 = arith.constant 0 : i32
      %dma_wait3A_242 = tpu.memref_slice %arg5[%dma_wait3A_238, %rem3A_205, %dma_wait3A_240, %dma_wait3A_241] : memref<4x2x4x2048xf32, #tpu.memory_space<vmem>> -> memref<1x1x4x2048xf32, #tpu.memory_space<vmem>>
      %dma_wait3A_243 = tpu.memref_squeeze %dma_wait3A_242 : memref<1x1x4x2048xf32, #tpu.memory_space<vmem>> -> memref<4x2048xf32, #tpu.memory_space<vmem>>
      %dma_wait3A_244 = arith.constant 0 : i32
      %dma_wait3A_245 = tpu.memref_slice %arg2[%add3A_237, %dma_wait3A_244] : memref<16384x2048xf32, #tpu.memory_space<hbm>> -> memref<4x2048xf32, #tpu.memory_space<hbm>>
      %dma_wait3A_246 = tpu.memref_slice %arg7[%dma_wait3A_239, %rem3A_205] : memref<4x2x!tpu.dma_semaphore, #tpu.memory_space<semaphore_mem>> -> memref<1x1x!tpu.dma_semaphore, #tpu.memory_space<semaphore_mem>>
      %dma_wait3A_247 = tpu.memref_squeeze %dma_wait3A_246 : memref<1x1x!tpu.dma_semaphore, #tpu.memory_space<semaphore_mem>> -> memref<!tpu.dma_semaphore, #tpu.memory_space<semaphore_mem>>
      %dma_wait3A_248 = arith.constant 0 : i32
      %dma_wait3A_249 = arith.constant 0 : i32
      %dma_wait3A_250 = tpu.memref_slice %arg5[%dma_wait3A_238, %rem3A_205, %dma_wait3A_248, %dma_wait3A_249] : memref<4x2x4x2048xf32, #tpu.memory_space<vmem>> -> memref<1x1x4x2048xf32, #tpu.memory_space<vmem>>
      %dma_wait3A_251 = tpu.memref_squeeze %dma_wait3A_250 : memref<1x1x4x2048xf32, #tpu.memory_space<vmem>> -> memref<4x2048xf32, #tpu.memory_space<vmem>>
      %dma_wait3A_252 = arith.constant 0 : i32
      %dma_wait3A_253 = tpu.memref_slice %arg2[%add3A_237, %dma_wait3A_252] : memref<16384x2048xf32, #tpu.memory_space<hbm>> -> memref<4x2048xf32, #tpu.memory_space<hbm>>
      tpu.wait_dma2 semaphore(%dma_wait3A_247 : memref<!tpu.dma_semaphore, #tpu.memory_space<semaphore_mem>>) src(%dma_wait3A_253 : memref<4x2048xf32, #tpu.memory_space<hbm>>) dst(%dma_wait3A_251 : memref<4x2048xf32, #tpu.memory_space<vmem>>)
      %add3A_254 = arith.constant 1 : i32
      %add3A_255 = arith.addi %scan3A_203, %add3A_254 : i32
      %lt3A_256 = arith.constant 4 : i32
      %lt3A_257 = arith.cmpi slt, %add3A_255, %lt3A_256 : i32
      %convert_element_type3A_258 = arith.extui %lt3A_257 : i1 to i32
      %cond3A_259 = arith.constant 0 : i32
      %cond3A_260 = arith.cmpi ne, %convert_element_type3A_258, %cond3A_259 : i32
      scf.if %cond3A_260 {
        %gt3A = arith.constant 0 : i32
        %gt3A_477 = arith.cmpi sgt, %scan3A_203, %gt3A : i32
        %convert_element_type3A_478 = arith.extui %gt3A_477 : i1 to i32
        %cond3A_479 = arith.constant 0 : i32
        %cond3A_480 = arith.cmpi ne, %convert_element_type3A_478, %cond3A_479 : i32
        scf.if %cond3A_480 {
          %sub3A = arith.constant 1 : i32
          %sub3A_504 = arith.subi %scan3A_203, %sub3A : i32
          %add3A_505 = arith.constant 0 : i32
          %add3A_506 = arith.addi %add3A_505, %mul3A_2 : i32
          %mul3A_507 = arith.constant 4 : i32
          %mul3A_508 = arith.muli %sub3A_504, %mul3A_507 : i32
          %add3A_509 = arith.addi %add3A_506, %mul3A_508 : i32
          %dma_wait3A_510 = arith.constant 0 : i32
          %dma_wait3A_511 = arith.constant 0 : i32
          %dma_wait3A_512 = arith.constant 0 : i32
          %dma_wait3A_513 = arith.constant 0 : i32
          %dma_wait3A_514 = tpu.memref_slice %arg5[%dma_wait3A_510, %rem3A_209, %dma_wait3A_512, %dma_wait3A_513] : memref<4x2x4x2048xf32, #tpu.memory_space<vmem>> -> memref<1x1x4x2048xf32, #tpu.memory_space<vmem>>
          %dma_wait3A_515 = tpu.memref_squeeze %dma_wait3A_514 : memref<1x1x4x2048xf32, #tpu.memory_space<vmem>> -> memref<4x2048xf32, #tpu.memory_space<vmem>>
          %dma_wait3A_516 = arith.constant 0 : i32
          %dma_wait3A_517 = tpu.memref_slice %arg4[%add3A_509, %dma_wait3A_516] : memref<2048x2048xf32, #tpu.memory_space<hbm>> -> memref<4x2048xf32, #tpu.memory_space<hbm>>
          %dma_wait3A_518 = tpu.memref_slice %arg8[%dma_wait3A_511, %rem3A_209] : memref<4x2x!tpu.dma_semaphore, #tpu.memory_space<semaphore_mem>> -> memref<1x1x!tpu.dma_semaphore, #tpu.memory_space<semaphore_mem>>
          %dma_wait3A_519 = tpu.memref_squeeze %dma_wait3A_518 : memref<1x1x!tpu.dma_semaphore, #tpu.memory_space<semaphore_mem>> -> memref<!tpu.dma_semaphore, #tpu.memory_space<semaphore_mem>>
          %dma_wait3A_520 = arith.constant 0 : i32
          %dma_wait3A_521 = tpu.memref_slice %arg4[%add3A_509, %dma_wait3A_520] : memref<2048x2048xf32, #tpu.memory_space<hbm>> -> memref<4x2048xf32, #tpu.memory_space<hbm>>
          %dma_wait3A_522 = arith.constant 0 : i32
          %dma_wait3A_523 = arith.constant 0 : i32
          %dma_wait3A_524 = tpu.memref_slice %arg5[%dma_wait3A_510, %rem3A_209, %dma_wait3A_522, %dma_wait3A_523] : memref<4x2x4x2048xf32, #tpu.memory_space<vmem>> -> memref<1x1x4x2048xf32, #tpu.memory_space<vmem>>
          %dma_wait3A_525 = tpu.memref_squeeze %dma_wait3A_524 : memref<1x1x4x2048xf32, #tpu.memory_space<vmem>> -> memref<4x2048xf32, #tpu.memory_space<vmem>>
          tpu.wait_dma2 semaphore(%dma_wait3A_519 : memref<!tpu.dma_semaphore, #tpu.memory_space<semaphore_mem>>) src(%dma_wait3A_525 : memref<4x2048xf32, #tpu.memory_space<vmem>>) dst(%dma_wait3A_521 : memref<4x2048xf32, #tpu.memory_space<hbm>>)
        } else {
        }
        %add3A_481 = arith.constant 1 : i32
        %add3A_482 = arith.addi %scan3A_203, %add3A_481 : i32
        %add3A_483 = arith.constant 3584 : i32
        %add3A_484 = arith.addi %add3A_483, %mul3A_2 : i32
        %mul3A_485 = arith.constant 4 : i32
        %mul3A_486 = arith.muli %add3A_482, %mul3A_485 : i32
        %add3A_487 = arith.addi %add3A_484, %mul3A_486 : i32
        %dma_start3A_488 = arith.constant 0 : i32
        %dma_start3A_489 = arith.constant 0 : i32
        %dma_start3A_490 = arith.constant 0 : i32
        %dma_start3A_491 = arith.constant 0 : i32
        %dma_start3A_492 = tpu.memref_slice %arg5[%dma_start3A_488, %rem3A_209, %dma_start3A_490, %dma_start3A_491] : memref<4x2x4x2048xf32, #tpu.memory_space<vmem>> -> memref<1x1x4x2048xf32, #tpu.memory_space<vmem>>
        %dma_start3A_493 = tpu.memref_squeeze %dma_start3A_492 : memref<1x1x4x2048xf32, #tpu.memory_space<vmem>> -> memref<4x2048xf32, #tpu.memory_space<vmem>>
        %dma_start3A_494 = arith.constant 0 : i32
        %dma_start3A_495 = tpu.memref_slice %arg2[%add3A_487, %dma_start3A_494] : memref<16384x2048xf32, #tpu.memory_space<hbm>> -> memref<4x2048xf32, #tpu.memory_space<hbm>>
        %dma_start3A_496 = tpu.memref_slice %arg7[%dma_start3A_489, %rem3A_209] : memref<4x2x!tpu.dma_semaphore, #tpu.memory_space<semaphore_mem>> -> memref<1x1x!tpu.dma_semaphore, #tpu.memory_space<semaphore_mem>>
        %dma_start3A_497 = tpu.memref_squeeze %dma_start3A_496 : memref<1x1x!tpu.dma_semaphore, #tpu.memory_space<semaphore_mem>> -> memref<!tpu.dma_semaphore, #tpu.memory_space<semaphore_mem>>
        %dma_start3A_498 = arith.constant 0 : i32
        %dma_start3A_499 = arith.constant 0 : i32
        %dma_start3A_500 = tpu.memref_slice %arg5[%dma_start3A_488, %rem3A_209, %dma_start3A_498, %dma_start3A_499] : memref<4x2x4x2048xf32, #tpu.memory_space<vmem>> -> memref<1x1x4x2048xf32, #tpu.memory_space<vmem>>
        %dma_start3A_501 = tpu.memref_squeeze %dma_start3A_500 : memref<1x1x4x2048xf32, #tpu.memory_space<vmem>> -> memref<4x2048xf32, #tpu.memory_space<vmem>>
        %dma_start3A_502 = arith.constant 0 : i32
        %dma_start3A_503 = tpu.memref_slice %arg2[%add3A_487, %dma_start3A_502] : memref<16384x2048xf32, #tpu.memory_space<hbm>> -> memref<4x2048xf32, #tpu.memory_space<hbm>>
        tpu.enqueue_dma source(%dma_start3A_503 : memref<4x2048xf32, #tpu.memory_space<hbm>>) target(%dma_start3A_501 : memref<4x2048xf32, #tpu.memory_space<vmem>>) target_semaphore(%dma_start3A_497 : memref<!tpu.dma_semaphore, #tpu.memory_space<semaphore_mem>>)
      } else {
      }
      %parallel_loop3A = arith.constant 0 : i32
      %parallel_loop3A_261 = arith.constant 128 : i32
      %parallel_loop3A_262 = arith.constant 1 : i32
      scf.for %parallel_loop3A_477 = %parallel_loop3A to %parallel_loop3A_261 step %parallel_loop3A_262  : i32 {
        %parallel_loop3A_478 = arith.constant 16 : i32
        %parallel_loop3A_479 = arith.muli %parallel_loop3A_477, %parallel_loop3A_478 : i32
        %parallel_loop3A_480 = arith.constant 0 : i32
        %parallel_loop3A_481 = arith.index_cast %rem3A_205 : i32 to index
        %parallel_loop3A_482 = arith.index_cast %parallel_loop3A_480 : i32 to index
        %parallel_loop3A_483 = arith.index_cast %parallel_loop3A_479 : i32 to index
        %parallel_loop3A_484 = tpu.vector_load %arg6[%parallel_loop3A_481, %parallel_loop3A_482, %parallel_loop3A_483] {strides = array<i32>} : memref<2x4x2048xf32, #tpu.memory_space<vmem>>, vector<1x1x16xf32>,
        %parallel_loop3A_485 = vector.shape_cast %parallel_loop3A_484 : vector<1x1x16xf32> to vector<16xf32>
        %parallel_loop3A_486 = arith.constant 0 : i32
        %parallel_loop3A_487 = arith.constant 0 : i32
        %parallel_loop3A_488 = arith.index_cast %parallel_loop3A_486 : i32 to index
        %parallel_loop3A_489 = arith.index_cast %rem3A_205 : i32 to index
        %parallel_loop3A_490 = arith.index_cast %parallel_loop3A_487 : i32 to index
        %parallel_loop3A_491 = arith.index_cast %parallel_loop3A_479 : i32 to index
        %parallel_loop3A_492 = tpu.vector_load %arg5[%parallel_loop3A_488, %parallel_loop3A_489, %parallel_loop3A_490, %parallel_loop3A_491] {strides = array<i32>} : memref<4x2x4x2048xf32, #tpu.memory_space<vmem>>, vector<1x1x1x16xf32>,
        %parallel_loop3A_493 = vector.shape_cast %parallel_loop3A_492 : vector<1x1x1x16xf32> to vector<16xf32>
        %parallel_loop3A_494 = vector.shape_cast %parallel_loop3A_485 : vector<16xf32> to vector<1x1x1x16xf32>
        tpu.vector_store %arg5[%parallel_loop3A_488, %parallel_loop3A_489, %parallel_loop3A_490, %parallel_loop3A_491], %parallel_loop3A_494 {add = true, strides = array<i32>} : memref<4x2x4x2048xf32, #tpu.memory_space<vmem>>, vector<1x1x1x16xf32>,
      } {sc.loop_unroll_factor = 8 : i64, sc.parallel_access}
      %parallel_loop3A_263 = arith.constant 0 : i32
      %parallel_loop3A_264 = arith.constant 128 : i32
      %parallel_loop3A_265 = arith.constant 1 : i32
      scf.for %parallel_loop3A_477 = %parallel_loop3A_263 to %parallel_loop3A_264 step %parallel_loop3A_265  : i32 {
        %parallel_loop3A_478 = arith.constant 16 : i32
        %parallel_loop3A_479 = arith.muli %parallel_loop3A_477, %parallel_loop3A_478 : i32
        %parallel_loop3A_480 = arith.constant 1 : i32
        %parallel_loop3A_481 = arith.index_cast %rem3A_205 : i32 to index
        %parallel_loop3A_482 = arith.index_cast %parallel_loop3A_480 : i32 to index
        %parallel_loop3A_483 = arith.index_cast %parallel_loop3A_479 : i32 to index
        %parallel_loop3A_484 = tpu.vector_load %arg6[%parallel_loop3A_481, %parallel_loop3A_482, %parallel_loop3A_483] {strides = array<i32>} : memref<2x4x2048xf32, #tpu.memory_space<vmem>>, vector<1x1x16xf32>,
        %parallel_loop3A_485 = vector.shape_cast %parallel_loop3A_484 : vector<1x1x16xf32> to vector<16xf32>
        %parallel_loop3A_486 = arith.constant 0 : i32
        %parallel_loop3A_487 = arith.constant 1 : i32
        %parallel_loop3A_488 = arith.index_cast %parallel_loop3A_486 : i32 to index
        %parallel_loop3A_489 = arith.index_cast %rem3A_205 : i32 to index
        %parallel_loop3A_490 = arith.index_cast %parallel_loop3A_487 : i32 to index
        %parallel_loop3A_491 = arith.index_cast %parallel_loop3A_479 : i32 to index
        %parallel_loop3A_492 = tpu.vector_load %arg5[%parallel_loop3A_488, %parallel_loop3A_489, %parallel_loop3A_490, %parallel_loop3A_491] {strides = array<i32>} : memref<4x2x4x2048xf32, #tpu.memory_space<vmem>>, vector<1x1x1x16xf32>,
        %parallel_loop3A_493 = vector.shape_cast %parallel_loop3A_492 : vector<1x1x1x16xf32> to vector<16xf32>
        %parallel_loop3A_494 = vector.shape_cast %parallel_loop3A_485 : vector<16xf32> to vector<1x1x1x16xf32>
        tpu.vector_store %arg5[%parallel_loop3A_488, %parallel_loop3A_489, %parallel_loop3A_490, %parallel_loop3A_491], %parallel_loop3A_494 {add = true, strides = array<i32>} : memref<4x2x4x2048xf32, #tpu.memory_space<vmem>>, vector<1x1x1x16xf32>,
      } {sc.loop_unroll_factor = 8 : i64, sc.parallel_access}
      %parallel_loop3A_266 = arith.constant 0 : i32
      %parallel_loop3A_267 = arith.constant 128 : i32
      %parallel_loop3A_268 = arith.constant 1 : i32
      scf.for %parallel_loop3A_477 = %parallel_loop3A_266 to %parallel_loop3A_267 step %parallel_loop3A_268  : i32 {
        %parallel_loop3A_478 = arith.constant 16 : i32
        %parallel_loop3A_479 = arith.muli %parallel_loop3A_477, %parallel_loop3A_478 : i32
        %parallel_loop3A_480 = arith.constant 2 : i32
        %parallel_loop3A_481 = arith.index_cast %rem3A_205 : i32 to index
        %parallel_loop3A_482 = arith.index_cast %parallel_loop3A_480 : i32 to index
        %parallel_loop3A_483 = arith.index_cast %parallel_loop3A_479 : i32 to index
        %parallel_loop3A_484 = tpu.vector_load %arg6[%parallel_loop3A_481, %parallel_loop3A_482, %parallel_loop3A_483] {strides = array<i32>} : memref<2x4x2048xf32, #tpu.memory_space<vmem>>, vector<1x1x16xf32>,
        %parallel_loop3A_485 = vector.shape_cast %parallel_loop3A_484 : vector<1x1x16xf32> to vector<16xf32>
        %parallel_loop3A_486 = arith.constant 0 : i32
        %parallel_loop3A_487 = arith.constant 2 : i32
        %parallel_loop3A_488 = arith.index_cast %parallel_loop3A_486 : i32 to index
        %parallel_loop3A_489 = arith.index_cast %rem3A_205 : i32 to index
        %parallel_loop3A_490 = arith.index_cast %parallel_loop3A_487 : i32 to index
        %parallel_loop3A_491 = arith.index_cast %parallel_loop3A_479 : i32 to index
        %parallel_loop3A_492 = tpu.vector_load %arg5[%parallel_loop3A_488, %parallel_loop3A_489, %parallel_loop3A_490, %parallel_loop3A_491] {strides = array<i32>} : memref<4x2x4x2048xf32, #tpu.memory_space<vmem>>, vector<1x1x1x16xf32>,
        %parallel_loop3A_493 = vector.shape_cast %parallel_loop3A_492 : vector<1x1x1x16xf32> to vector<16xf32>
        %parallel_loop3A_494 = vector.shape_cast %parallel_loop3A_485 : vector<16xf32> to vector<1x1x1x16xf32>
        tpu.vector_store %arg5[%parallel_loop3A_488, %parallel_loop3A_489, %parallel_loop3A_490, %parallel_loop3A_491], %parallel_loop3A_494 {add = true, strides = array<i32>} : memref<4x2x4x2048xf32, #tpu.memory_space<vmem>>, vector<1x1x1x16xf32>,
      } {sc.loop_unroll_factor = 8 : i64, sc.parallel_access}
      %parallel_loop3A_269 = arith.constant 0 : i32
      %parallel_loop3A_270 = arith.constant 128 : i32
      %parallel_loop3A_271 = arith.constant 1 : i32
      scf.for %parallel_loop3A_477 = %parallel_loop3A_269 to %parallel_loop3A_270 step %parallel_loop3A_271  : i32 {
        %parallel_loop3A_478 = arith.constant 16 : i32
        %parallel_loop3A_479 = arith.muli %parallel_loop3A_477, %parallel_loop3A_478 : i32
        %parallel_loop3A_480 = arith.constant 3 : i32
        %parallel_loop3A_481 = arith.index_cast %rem3A_205 : i32 to index
        %parallel_loop3A_482 = arith.index_cast %parallel_loop3A_480 : i32 to index
        %parallel_loop3A_483 = arith.index_cast %parallel_loop3A_479 : i32 to index
        %parallel_loop3A_484 = tpu.vector_load %arg6[%parallel_loop3A_481, %parallel_loop3A_482, %parallel_loop3A_483] {strides = array<i32>} : memref<2x4x2048xf32, #tpu.memory_space<vmem>>, vector<1x1x16xf32>,
        %parallel_loop3A_485 = vector.shape_cast %parallel_loop3A_484 : vector<1x1x16xf32> to vector<16xf32>
        %parallel_loop3A_486 = arith.constant 0 : i32
        %parallel_loop3A_487 = arith.constant 3 : i32
        %parallel_loop3A_488 = arith.index_cast %parallel_loop3A_486 : i32 to index
        %parallel_loop3A_489 = arith.index_cast %rem3A_205 : i32 to index
        %parallel_loop3A_490 = arith.index_cast %parallel_loop3A_487 : i32 to index
        %parallel_loop3A_491 = arith.index_cast %parallel_loop3A_479 : i32 to index
        %parallel_loop3A_492 = tpu.vector_load %arg5[%parallel_loop3A_488, %parallel_loop3A_489, %parallel_loop3A_490, %parallel_loop3A_491] {strides = array<i32>} : memref<4x2x4x2048xf32, #tpu.memory_space<vmem>>, vector<1x1x1x16xf32>,
        %parallel_loop3A_493 = vector.shape_cast %parallel_loop3A_492 : vector<1x1x1x16xf32> to vector<16xf32>
        %parallel_loop3A_494 = vector.shape_cast %parallel_loop3A_485 : vector<16xf32> to vector<1x1x1x16xf32>
        tpu.vector_store %arg5[%parallel_loop3A_488, %parallel_loop3A_489, %parallel_loop3A_490, %parallel_loop3A_491], %parallel_loop3A_494 {add = true, strides = array<i32>} : memref<4x2x4x2048xf32, #tpu.memory_space<vmem>>, vector<1x1x1x16xf32>,
      } {sc.loop_unroll_factor = 8 : i64, sc.parallel_access}
      %add3A_272 = arith.constant 0 : i32
      %add3A_273 = arith.addi %add3A_272, %mul3A_2 : i32
      %mul3A_274 = arith.constant 4 : i32
      %mul3A_275 = arith.muli %scan3A_203, %mul3A_274 : i32
      %add3A_276 = arith.addi %add3A_273, %mul3A_275 : i32
      %dma_start3A_277 = arith.constant 0 : i32
      %dma_start3A_278 = arith.constant 0 : i32
      %dma_start3A_279 = arith.constant 0 : i32
      %dma_start3A_280 = arith.constant 0 : i32
      %dma_start3A_281 = tpu.memref_slice %arg5[%dma_start3A_277, %rem3A_205, %dma_start3A_279, %dma_start3A_280] : memref<4x2x4x2048xf32, #tpu.memory_space<vmem>> -> memref<1x1x4x2048xf32, #tpu.memory_space<vmem>>
      %dma_start3A_282 = tpu.memref_squeeze %dma_start3A_281 : memref<1x1x4x2048xf32, #tpu.memory_space<vmem>> -> memref<4x2048xf32, #tpu.memory_space<vmem>>
      %dma_start3A_283 = arith.constant 0 : i32
      %dma_start3A_284 = tpu.memref_slice %arg4[%add3A_276, %dma_start3A_283] : memref<2048x2048xf32, #tpu.memory_space<hbm>> -> memref<4x2048xf32, #tpu.memory_space<hbm>>
      %dma_start3A_285 = tpu.memref_slice %arg8[%dma_start3A_278, %rem3A_205] : memref<4x2x!tpu.dma_semaphore, #tpu.memory_space<semaphore_mem>> -> memref<1x1x!tpu.dma_semaphore, #tpu.memory_space<semaphore_mem>>
      %dma_start3A_286 = tpu.memref_squeeze %dma_start3A_285 : memref<1x1x!tpu.dma_semaphore, #tpu.memory_space<semaphore_mem>> -> memref<!tpu.dma_semaphore, #tpu.memory_space<semaphore_mem>>
      %dma_start3A_287 = arith.constant 0 : i32
      %dma_start3A_288 = tpu.memref_slice %arg4[%add3A_276, %dma_start3A_287] : memref<2048x2048xf32, #tpu.memory_space<hbm>> -> memref<4x2048xf32, #tpu.memory_space<hbm>>
      %dma_start3A_289 = arith.constant 0 : i32
      %dma_start3A_290 = arith.constant 0 : i32
      %dma_start3A_291 = tpu.memref_slice %arg5[%dma_start3A_277, %rem3A_205, %dma_start3A_289, %dma_start3A_290] : memref<4x2x4x2048xf32, #tpu.memory_space<vmem>> -> memref<1x1x4x2048xf32, #tpu.memory_space<vmem>>
      %dma_start3A_292 = tpu.memref_squeeze %dma_start3A_291 : memref<1x1x4x2048xf32, #tpu.memory_space<vmem>> -> memref<4x2048xf32, #tpu.memory_space<vmem>>
      tpu.enqueue_dma source(%dma_start3A_292 : memref<4x2048xf32, #tpu.memory_space<vmem>>) target(%dma_start3A_288 : memref<4x2048xf32, #tpu.memory_space<hbm>>) target_semaphore(%dma_start3A_286 : memref<!tpu.dma_semaphore, #tpu.memory_space<semaphore_mem>>)
      %add3A_293 = arith.constant 7680 : i32
      %add3A_294 = arith.addi %add3A_293, %mul3A_2 : i32
      %mul3A_295 = arith.constant 4 : i32
      %mul3A_296 = arith.muli %scan3A_203, %mul3A_295 : i32
      %add3A_297 = arith.addi %add3A_294, %mul3A_296 : i32
      %dma_wait3A_298 = arith.constant 1 : i32
      %dma_wait3A_299 = arith.constant 1 : i32
      %dma_wait3A_300 = arith.constant 0 : i32
      %dma_wait3A_301 = arith.constant 0 : i32
      %dma_wait3A_302 = tpu.memref_slice %arg5[%dma_wait3A_298, %rem3A_205, %dma_wait3A_300, %dma_wait3A_301] : memref<4x2x4x2048xf32, #tpu.memory_space<vmem>> -> memref<1x1x4x2048xf32, #tpu.memory_space<vmem>>
      %dma_wait3A_303 = tpu.memref_squeeze %dma_wait3A_302 : memref<1x1x4x2048xf32, #tpu.memory_space<vmem>> -> memref<4x2048xf32, #tpu.memory_space<vmem>>
      %dma_wait3A_304 = arith.constant 0 : i32
      %dma_wait3A_305 = tpu.memref_slice %arg2[%add3A_297, %dma_wait3A_304] : memref<16384x2048xf32, #tpu.memory_space<hbm>> -> memref<4x2048xf32, #tpu.memory_space<hbm>>
      %dma_wait3A_306 = tpu.memref_slice %arg7[%dma_wait3A_299, %rem3A_205] : memref<4x2x!tpu.dma_semaphore, #tpu.memory_space<semaphore_mem>> -> memref<1x1x!tpu.dma_semaphore, #tpu.memory_space<semaphore_mem>>
      %dma_wait3A_307 = tpu.memref_squeeze %dma_wait3A_306 : memref<1x1x!tpu.dma_semaphore, #tpu.memory_space<semaphore_mem>> -> memref<!tpu.dma_semaphore, #tpu.memory_space<semaphore_mem>>
      %dma_wait3A_308 = arith.constant 0 : i32
      %dma_wait3A_309 = arith.constant 0 : i32
      %dma_wait3A_310 = tpu.memref_slice %arg5[%dma_wait3A_298, %rem3A_205, %dma_wait3A_308, %dma_wait3A_309] : memref<4x2x4x2048xf32, #tpu.memory_space<vmem>> -> memref<1x1x4x2048xf32, #tpu.memory_space<vmem>>
      %dma_wait3A_311 = tpu.memref_squeeze %dma_wait3A_310 : memref<1x1x4x2048xf32, #tpu.memory_space<vmem>> -> memref<4x2048xf32, #tpu.memory_space<vmem>>
      %dma_wait3A_312 = arith.constant 0 : i32
      %dma_wait3A_313 = tpu.memref_slice %arg2[%add3A_297, %dma_wait3A_312] : memref<16384x2048xf32, #tpu.memory_space<hbm>> -> memref<4x2048xf32, #tpu.memory_space<hbm>>
      tpu.wait_dma2 semaphore(%dma_wait3A_307 : memref<!tpu.dma_semaphore, #tpu.memory_space<semaphore_mem>>) src(%dma_wait3A_313 : memref<4x2048xf32, #tpu.memory_space<hbm>>) dst(%dma_wait3A_311 : memref<4x2048xf32, #tpu.memory_space<vmem>>)
      %add3A_314 = arith.constant 1 : i32
      %add3A_315 = arith.addi %scan3A_203, %add3A_314 : i32
      %lt3A_316 = arith.constant 4 : i32
      %lt3A_317 = arith.cmpi slt, %add3A_315, %lt3A_316 : i32
      %convert_element_type3A_318 = arith.extui %lt3A_317 : i1 to i32
      %cond3A_319 = arith.constant 0 : i32
      %cond3A_320 = arith.cmpi ne, %convert_element_type3A_318, %cond3A_319 : i32
      scf.if %cond3A_320 {
        %gt3A = arith.constant 0 : i32
        %gt3A_477 = arith.cmpi sgt, %scan3A_203, %gt3A : i32
        %convert_element_type3A_478 = arith.extui %gt3A_477 : i1 to i32
        %cond3A_479 = arith.constant 0 : i32
        %cond3A_480 = arith.cmpi ne, %convert_element_type3A_478, %cond3A_479 : i32
        scf.if %cond3A_480 {
          %sub3A = arith.constant 1 : i32
          %sub3A_504 = arith.subi %scan3A_203, %sub3A : i32
          %add3A_505 = arith.constant 512 : i32
          %add3A_506 = arith.addi %add3A_505, %mul3A_2 : i32
          %mul3A_507 = arith.constant 4 : i32
          %mul3A_508 = arith.muli %sub3A_504, %mul3A_507 : i32
          %add3A_509 = arith.addi %add3A_506, %mul3A_508 : i32
          %dma_wait3A_510 = arith.constant 1 : i32
          %dma_wait3A_511 = arith.constant 1 : i32
          %dma_wait3A_512 = arith.constant 0 : i32
          %dma_wait3A_513 = arith.constant 0 : i32
          %dma_wait3A_514 = tpu.memref_slice %arg5[%dma_wait3A_510, %rem3A_209, %dma_wait3A_512, %dma_wait3A_513] : memref<4x2x4x2048xf32, #tpu.memory_space<vmem>> -> memref<1x1x4x2048xf32, #tpu.memory_space<vmem>>
          %dma_wait3A_515 = tpu.memref_squeeze %dma_wait3A_514 : memref<1x1x4x2048xf32, #tpu.memory_space<vmem>> -> memref<4x2048xf32, #tpu.memory_space<vmem>>
          %dma_wait3A_516 = arith.constant 0 : i32
          %dma_wait3A_517 = tpu.memref_slice %arg4[%add3A_509, %dma_wait3A_516] : memref<2048x2048xf32, #tpu.memory_space<hbm>> -> memref<4x2048xf32, #tpu.memory_space<hbm>>
          %dma_wait3A_518 = tpu.memref_slice %arg8[%dma_wait3A_511, %rem3A_209] : memref<4x2x!tpu.dma_semaphore, #tpu.memory_space<semaphore_mem>> -> memref<1x1x!tpu.dma_semaphore, #tpu.memory_space<semaphore_mem>>
          %dma_wait3A_519 = tpu.memref_squeeze %dma_wait3A_518 : memref<1x1x!tpu.dma_semaphore, #tpu.memory_space<semaphore_mem>> -> memref<!tpu.dma_semaphore, #tpu.memory_space<semaphore_mem>>
          %dma_wait3A_520 = arith.constant 0 : i32
          %dma_wait3A_521 = tpu.memref_slice %arg4[%add3A_509, %dma_wait3A_520] : memref<2048x2048xf32, #tpu.memory_space<hbm>> -> memref<4x2048xf32, #tpu.memory_space<hbm>>
          %dma_wait3A_522 = arith.constant 0 : i32
          %dma_wait3A_523 = arith.constant 0 : i32
          %dma_wait3A_524 = tpu.memref_slice %arg5[%dma_wait3A_510, %rem3A_209, %dma_wait3A_522, %dma_wait3A_523] : memref<4x2x4x2048xf32, #tpu.memory_space<vmem>> -> memref<1x1x4x2048xf32, #tpu.memory_space<vmem>>
          %dma_wait3A_525 = tpu.memref_squeeze %dma_wait3A_524 : memref<1x1x4x2048xf32, #tpu.memory_space<vmem>> -> memref<4x2048xf32, #tpu.memory_space<vmem>>
          tpu.wait_dma2 semaphore(%dma_wait3A_519 : memref<!tpu.dma_semaphore, #tpu.memory_space<semaphore_mem>>) src(%dma_wait3A_525 : memref<4x2048xf32, #tpu.memory_space<vmem>>) dst(%dma_wait3A_521 : memref<4x2048xf32, #tpu.memory_space<hbm>>)
        } else {
        }
        %add3A_481 = arith.constant 1 : i32
        %add3A_482 = arith.addi %scan3A_203, %add3A_481 : i32
        %add3A_483 = arith.constant 7680 : i32
        %add3A_484 = arith.addi %add3A_483, %mul3A_2 : i32
        %mul3A_485 = arith.constant 4 : i32
        %mul3A_486 = arith.muli %add3A_482, %mul3A_485 : i32
        %add3A_487 = arith.addi %add3A_484, %mul3A_486 : i32
        %dma_start3A_488 = arith.constant 1 : i32
        %dma_start3A_489 = arith.constant 1 : i32
        %dma_start3A_490 = arith.constant 0 : i32
        %dma_start3A_491 = arith.constant 0 : i32
        %dma_start3A_492 = tpu.memref_slice %arg5[%dma_start3A_488, %rem3A_209, %dma_start3A_490, %dma_start3A_491] : memref<4x2x4x2048xf32, #tpu.memory_space<vmem>> -> memref<1x1x4x2048xf32, #tpu.memory_space<vmem>>
        %dma_start3A_493 = tpu.memref_squeeze %dma_start3A_492 : memref<1x1x4x2048xf32, #tpu.memory_space<vmem>> -> memref<4x2048xf32, #tpu.memory_space<vmem>>
        %dma_start3A_494 = arith.constant 0 : i32
        %dma_start3A_495 = tpu.memref_slice %arg2[%add3A_487, %dma_start3A_494] : memref<16384x2048xf32, #tpu.memory_space<hbm>> -> memref<4x2048xf32, #tpu.memory_space<hbm>>
        %dma_start3A_496 = tpu.memref_slice %arg7[%dma_start3A_489, %rem3A_209] : memref<4x2x!tpu.dma_semaphore, #tpu.memory_space<semaphore_mem>> -> memref<1x1x!tpu.dma_semaphore, #tpu.memory_space<semaphore_mem>>
        %dma_start3A_497 = tpu.memref_squeeze %dma_start3A_496 : memref<1x1x!tpu.dma_semaphore, #tpu.memory_space<semaphore_mem>> -> memref<!tpu.dma_semaphore, #tpu.memory_space<semaphore_mem>>
        %dma_start3A_498 = arith.constant 0 : i32
        %dma_start3A_499 = arith.constant 0 : i32
        %dma_start3A_500 = tpu.memref_slice %arg5[%dma_start3A_488, %rem3A_209, %dma_start3A_498, %dma_start3A_499] : memref<4x2x4x2048xf32, #tpu.memory_space<vmem>> -> memref<1x1x4x2048xf32, #tpu.memory_space<vmem>>
        %dma_start3A_501 = tpu.memref_squeeze %dma_start3A_500 : memref<1x1x4x2048xf32, #tpu.memory_space<vmem>> -> memref<4x2048xf32, #tpu.memory_space<vmem>>
        %dma_start3A_502 = arith.constant 0 : i32
        %dma_start3A_503 = tpu.memref_slice %arg2[%add3A_487, %dma_start3A_502] : memref<16384x2048xf32, #tpu.memory_space<hbm>> -> memref<4x2048xf32, #tpu.memory_space<hbm>>
        tpu.enqueue_dma source(%dma_start3A_503 : memref<4x2048xf32, #tpu.memory_space<hbm>>) target(%dma_start3A_501 : memref<4x2048xf32, #tpu.memory_space<vmem>>) target_semaphore(%dma_start3A_497 : memref<!tpu.dma_semaphore, #tpu.memory_space<semaphore_mem>>)
      } else {
      }
      %parallel_loop3A_321 = arith.constant 0 : i32
      %parallel_loop3A_322 = arith.constant 128 : i32
      %parallel_loop3A_323 = arith.constant 1 : i32
      scf.for %parallel_loop3A_477 = %parallel_loop3A_321 to %parallel_loop3A_322 step %parallel_loop3A_323  : i32 {
        %parallel_loop3A_478 = arith.constant 16 : i32
        %parallel_loop3A_479 = arith.muli %parallel_loop3A_477, %parallel_loop3A_478 : i32
        %parallel_loop3A_480 = arith.constant 0 : i32
        %parallel_loop3A_481 = arith.index_cast %rem3A_205 : i32 to index
        %parallel_loop3A_482 = arith.index_cast %parallel_loop3A_480 : i32 to index
        %parallel_loop3A_483 = arith.index_cast %parallel_loop3A_479 : i32 to index
        %parallel_loop3A_484 = tpu.vector_load %arg6[%parallel_loop3A_481, %parallel_loop3A_482, %parallel_loop3A_483] {strides = array<i32>} : memref<2x4x2048xf32, #tpu.memory_space<vmem>>, vector<1x1x16xf32>,
        %parallel_loop3A_485 = vector.shape_cast %parallel_loop3A_484 : vector<1x1x16xf32> to vector<16xf32>
        %parallel_loop3A_486 = arith.constant 1 : i32
        %parallel_loop3A_487 = arith.constant 0 : i32
        %parallel_loop3A_488 = arith.index_cast %parallel_loop3A_486 : i32 to index
        %parallel_loop3A_489 = arith.index_cast %rem3A_205 : i32 to index
        %parallel_loop3A_490 = arith.index_cast %parallel_loop3A_487 : i32 to index
        %parallel_loop3A_491 = arith.index_cast %parallel_loop3A_479 : i32 to index
        %parallel_loop3A_492 = tpu.vector_load %arg5[%parallel_loop3A_488, %parallel_loop3A_489, %parallel_loop3A_490, %parallel_loop3A_491] {strides = array<i32>} : memref<4x2x4x2048xf32, #tpu.memory_space<vmem>>, vector<1x1x1x16xf32>,
        %parallel_loop3A_493 = vector.shape_cast %parallel_loop3A_492 : vector<1x1x1x16xf32> to vector<16xf32>
        %parallel_loop3A_494 = vector.shape_cast %parallel_loop3A_485 : vector<16xf32> to vector<1x1x1x16xf32>
        tpu.vector_store %arg5[%parallel_loop3A_488, %parallel_loop3A_489, %parallel_loop3A_490, %parallel_loop3A_491], %parallel_loop3A_494 {add = true, strides = array<i32>} : memref<4x2x4x2048xf32, #tpu.memory_space<vmem>>, vector<1x1x1x16xf32>,
      } {sc.loop_unroll_factor = 8 : i64, sc.parallel_access}
      %parallel_loop3A_324 = arith.constant 0 : i32
      %parallel_loop3A_325 = arith.constant 128 : i32
      %parallel_loop3A_326 = arith.constant 1 : i32
      scf.for %parallel_loop3A_477 = %parallel_loop3A_324 to %parallel_loop3A_325 step %parallel_loop3A_326  : i32 {
        %parallel_loop3A_478 = arith.constant 16 : i32
        %parallel_loop3A_479 = arith.muli %parallel_loop3A_477, %parallel_loop3A_478 : i32
        %parallel_loop3A_480 = arith.constant 1 : i32
        %parallel_loop3A_481 = arith.index_cast %rem3A_205 : i32 to index
        %parallel_loop3A_482 = arith.index_cast %parallel_loop3A_480 : i32 to index
        %parallel_loop3A_483 = arith.index_cast %parallel_loop3A_479 : i32 to index
        %parallel_loop3A_484 = tpu.vector_load %arg6[%parallel_loop3A_481, %parallel_loop3A_482, %parallel_loop3A_483] {strides = array<i32>} : memref<2x4x2048xf32, #tpu.memory_space<vmem>>, vector<1x1x16xf32>,
        %parallel_loop3A_485 = vector.shape_cast %parallel_loop3A_484 : vector<1x1x16xf32> to vector<16xf32>
        %parallel_loop3A_486 = arith.constant 1 : i32
        %parallel_loop3A_487 = arith.constant 1 : i32
        %parallel_loop3A_488 = arith.index_cast %parallel_loop3A_486 : i32 to index
        %parallel_loop3A_489 = arith.index_cast %rem3A_205 : i32 to index
        %parallel_loop3A_490 = arith.index_cast %parallel_loop3A_487 : i32 to index
        %parallel_loop3A_491 = arith.index_cast %parallel_loop3A_479 : i32 to index
        %parallel_loop3A_492 = tpu.vector_load %arg5[%parallel_loop3A_488, %parallel_loop3A_489, %parallel_loop3A_490, %parallel_loop3A_491] {strides = array<i32>} : memref<4x2x4x2048xf32, #tpu.memory_space<vmem>>, vector<1x1x1x16xf32>,
        %parallel_loop3A_493 = vector.shape_cast %parallel_loop3A_492 : vector<1x1x1x16xf32> to vector<16xf32>
        %parallel_loop3A_494 = vector.shape_cast %parallel_loop3A_485 : vector<16xf32> to vector<1x1x1x16xf32>
        tpu.vector_store %arg5[%parallel_loop3A_488, %parallel_loop3A_489, %parallel_loop3A_490, %parallel_loop3A_491], %parallel_loop3A_494 {add = true, strides = array<i32>} : memref<4x2x4x2048xf32, #tpu.memory_space<vmem>>, vector<1x1x1x16xf32>,
      } {sc.loop_unroll_factor = 8 : i64, sc.parallel_access}
      %parallel_loop3A_327 = arith.constant 0 : i32
      %parallel_loop3A_328 = arith.constant 128 : i32
      %parallel_loop3A_329 = arith.constant 1 : i32
      scf.for %parallel_loop3A_477 = %parallel_loop3A_327 to %parallel_loop3A_328 step %parallel_loop3A_329  : i32 {
        %parallel_loop3A_478 = arith.constant 16 : i32
        %parallel_loop3A_479 = arith.muli %parallel_loop3A_477, %parallel_loop3A_478 : i32
        %parallel_loop3A_480 = arith.constant 2 : i32
        %parallel_loop3A_481 = arith.index_cast %rem3A_205 : i32 to index
        %parallel_loop3A_482 = arith.index_cast %parallel_loop3A_480 : i32 to index
        %parallel_loop3A_483 = arith.index_cast %parallel_loop3A_479 : i32 to index
        %parallel_loop3A_484 = tpu.vector_load %arg6[%parallel_loop3A_481, %parallel_loop3A_482, %parallel_loop3A_483] {strides = array<i32>} : memref<2x4x2048xf32, #tpu.memory_space<vmem>>, vector<1x1x16xf32>,
        %parallel_loop3A_485 = vector.shape_cast %parallel_loop3A_484 : vector<1x1x16xf32> to vector<16xf32>
        %parallel_loop3A_486 = arith.constant 1 : i32
        %parallel_loop3A_487 = arith.constant 2 : i32
        %parallel_loop3A_488 = arith.index_cast %parallel_loop3A_486 : i32 to index
        %parallel_loop3A_489 = arith.index_cast %rem3A_205 : i32 to index
        %parallel_loop3A_490 = arith.index_cast %parallel_loop3A_487 : i32 to index
        %parallel_loop3A_491 = arith.index_cast %parallel_loop3A_479 : i32 to index
        %parallel_loop3A_492 = tpu.vector_load %arg5[%parallel_loop3A_488, %parallel_loop3A_489, %parallel_loop3A_490, %parallel_loop3A_491] {strides = array<i32>} : memref<4x2x4x2048xf32, #tpu.memory_space<vmem>>, vector<1x1x1x16xf32>,
        %parallel_loop3A_493 = vector.shape_cast %parallel_loop3A_492 : vector<1x1x1x16xf32> to vector<16xf32>
        %parallel_loop3A_494 = vector.shape_cast %parallel_loop3A_485 : vector<16xf32> to vector<1x1x1x16xf32>
        tpu.vector_store %arg5[%parallel_loop3A_488, %parallel_loop3A_489, %parallel_loop3A_490, %parallel_loop3A_491], %parallel_loop3A_494 {add = true, strides = array<i32>} : memref<4x2x4x2048xf32, #tpu.memory_space<vmem>>, vector<1x1x1x16xf32>,
      } {sc.loop_unroll_factor = 8 : i64, sc.parallel_access}
      %parallel_loop3A_330 = arith.constant 0 : i32
      %parallel_loop3A_331 = arith.constant 128 : i32
      %parallel_loop3A_332 = arith.constant 1 : i32
      scf.for %parallel_loop3A_477 = %parallel_loop3A_330 to %parallel_loop3A_331 step %parallel_loop3A_332  : i32 {
        %parallel_loop3A_478 = arith.constant 16 : i32
        %parallel_loop3A_479 = arith.muli %parallel_loop3A_477, %parallel_loop3A_478 : i32
        %parallel_loop3A_480 = arith.constant 3 : i32
        %parallel_loop3A_481 = arith.index_cast %rem3A_205 : i32 to index
        %parallel_loop3A_482 = arith.index_cast %parallel_loop3A_480 : i32 to index
        %parallel_loop3A_483 = arith.index_cast %parallel_loop3A_479 : i32 to index
        %parallel_loop3A_484 = tpu.vector_load %arg6[%parallel_loop3A_481, %parallel_loop3A_482, %parallel_loop3A_483] {strides = array<i32>} : memref<2x4x2048xf32, #tpu.memory_space<vmem>>, vector<1x1x16xf32>,
        %parallel_loop3A_485 = vector.shape_cast %parallel_loop3A_484 : vector<1x1x16xf32> to vector<16xf32>
        %parallel_loop3A_486 = arith.constant 1 : i32
        %parallel_loop3A_487 = arith.constant 3 : i32
        %parallel_loop3A_488 = arith.index_cast %parallel_loop3A_486 : i32 to index
        %parallel_loop3A_489 = arith.index_cast %rem3A_205 : i32 to index
        %parallel_loop3A_490 = arith.index_cast %parallel_loop3A_487 : i32 to index
        %parallel_loop3A_491 = arith.index_cast %parallel_loop3A_479 : i32 to index
        %parallel_loop3A_492 = tpu.vector_load %arg5[%parallel_loop3A_488, %parallel_loop3A_489, %parallel_loop3A_490, %parallel_loop3A_491] {strides = array<i32>} : memref<4x2x4x2048xf32, #tpu.memory_space<vmem>>, vector<1x1x1x16xf32>,
        %parallel_loop3A_493 = vector.shape_cast %parallel_loop3A_492 : vector<1x1x1x16xf32> to vector<16xf32>
        %parallel_loop3A_494 = vector.shape_cast %parallel_loop3A_485 : vector<16xf32> to vector<1x1x1x16xf32>
        tpu.vector_store %arg5[%parallel_loop3A_488, %parallel_loop3A_489, %parallel_loop3A_490, %parallel_loop3A_491], %parallel_loop3A_494 {add = true, strides = array<i32>} : memref<4x2x4x2048xf32, #tpu.memory_space<vmem>>, vector<1x1x1x16xf32>,
      } {sc.loop_unroll_factor = 8 : i64, sc.parallel_access}
      %add3A_333 = arith.constant 512 : i32
      %add3A_334 = arith.addi %add3A_333, %mul3A_2 : i32
      %mul3A_335 = arith.constant 4 : i32
      %mul3A_336 = arith.muli %scan3A_203, %mul3A_335 : i32
      %add3A_337 = arith.addi %add3A_334, %mul3A_336 : i32
      %dma_start3A_338 = arith.constant 1 : i32
      %dma_start3A_339 = arith.constant 1 : i32
      %dma_start3A_340 = arith.constant 0 : i32
      %dma_start3A_341 = arith.constant 0 : i32
      %dma_start3A_342 = tpu.memref_slice %arg5[%dma_start3A_338, %rem3A_205, %dma_start3A_340, %dma_start3A_341] : memref<4x2x4x2048xf32, #tpu.memory_space<vmem>> -> memref<1x1x4x2048xf32, #tpu.memory_space<vmem>>
      %dma_start3A_343 = tpu.memref_squeeze %dma_start3A_342 : memref<1x1x4x2048xf32, #tpu.memory_space<vmem>> -> memref<4x2048xf32, #tpu.memory_space<vmem>>
      %dma_start3A_344 = arith.constant 0 : i32
      %dma_start3A_345 = tpu.memref_slice %arg4[%add3A_337, %dma_start3A_344] : memref<2048x2048xf32, #tpu.memory_space<hbm>> -> memref<4x2048xf32, #tpu.memory_space<hbm>>
      %dma_start3A_346 = tpu.memref_slice %arg8[%dma_start3A_339, %rem3A_205] : memref<4x2x!tpu.dma_semaphore, #tpu.memory_space<semaphore_mem>> -> memref<1x1x!tpu.dma_semaphore, #tpu.memory_space<semaphore_mem>>
      %dma_start3A_347 = tpu.memref_squeeze %dma_start3A_346 : memref<1x1x!tpu.dma_semaphore, #tpu.memory_space<semaphore_mem>> -> memref<!tpu.dma_semaphore, #tpu.memory_space<semaphore_mem>>
      %dma_start3A_348 = arith.constant 0 : i32
      %dma_start3A_349 = tpu.memref_slice %arg4[%add3A_337, %dma_start3A_348] : memref<2048x2048xf32, #tpu.memory_space<hbm>> -> memref<4x2048xf32, #tpu.memory_space<hbm>>
      %dma_start3A_350 = arith.constant 0 : i32
      %dma_start3A_351 = arith.constant 0 : i32
      %dma_start3A_352 = tpu.memref_slice %arg5[%dma_start3A_338, %rem3A_205, %dma_start3A_350, %dma_start3A_351] : memref<4x2x4x2048xf32, #tpu.memory_space<vmem>> -> memref<1x1x4x2048xf32, #tpu.memory_space<vmem>>
      %dma_start3A_353 = tpu.memref_squeeze %dma_start3A_352 : memref<1x1x4x2048xf32, #tpu.memory_space<vmem>> -> memref<4x2048xf32, #tpu.memory_space<vmem>>
      tpu.enqueue_dma source(%dma_start3A_353 : memref<4x2048xf32, #tpu.memory_space<vmem>>) target(%dma_start3A_349 : memref<4x2048xf32, #tpu.memory_space<hbm>>) target_semaphore(%dma_start3A_347 : memref<!tpu.dma_semaphore, #tpu.memory_space<semaphore_mem>>)
      %add3A_354 = arith.constant 11776 : i32
      %add3A_355 = arith.addi %add3A_354, %mul3A_2 : i32
      %mul3A_356 = arith.constant 4 : i32
      %mul3A_357 = arith.muli %scan3A_203, %mul3A_356 : i32
      %add3A_358 = arith.addi %add3A_355, %mul3A_357 : i32
      %dma_wait3A_359 = arith.constant 2 : i32
      %dma_wait3A_360 = arith.constant 2 : i32
      %dma_wait3A_361 = arith.constant 0 : i32
      %dma_wait3A_362 = arith.constant 0 : i32
      %dma_wait3A_363 = tpu.memref_slice %arg5[%dma_wait3A_359, %rem3A_205, %dma_wait3A_361, %dma_wait3A_362] : memref<4x2x4x2048xf32, #tpu.memory_space<vmem>> -> memref<1x1x4x2048xf32, #tpu.memory_space<vmem>>
      %dma_wait3A_364 = tpu.memref_squeeze %dma_wait3A_363 : memref<1x1x4x2048xf32, #tpu.memory_space<vmem>> -> memref<4x2048xf32, #tpu.memory_space<vmem>>
      %dma_wait3A_365 = arith.constant 0 : i32
      %dma_wait3A_366 = tpu.memref_slice %arg2[%add3A_358, %dma_wait3A_365] : memref<16384x2048xf32, #tpu.memory_space<hbm>> -> memref<4x2048xf32, #tpu.memory_space<hbm>>
      %dma_wait3A_367 = tpu.memref_slice %arg7[%dma_wait3A_360, %rem3A_205] : memref<4x2x!tpu.dma_semaphore, #tpu.memory_space<semaphore_mem>> -> memref<1x1x!tpu.dma_semaphore, #tpu.memory_space<semaphore_mem>>
      %dma_wait3A_368 = tpu.memref_squeeze %dma_wait3A_367 : memref<1x1x!tpu.dma_semaphore, #tpu.memory_space<semaphore_mem>> -> memref<!tpu.dma_semaphore, #tpu.memory_space<semaphore_mem>>
      %dma_wait3A_369 = arith.constant 0 : i32
      %dma_wait3A_370 = arith.constant 0 : i32
      %dma_wait3A_371 = tpu.memref_slice %arg5[%dma_wait3A_359, %rem3A_205, %dma_wait3A_369, %dma_wait3A_370] : memref<4x2x4x2048xf32, #tpu.memory_space<vmem>> -> memref<1x1x4x2048xf32, #tpu.memory_space<vmem>>
      %dma_wait3A_372 = tpu.memref_squeeze %dma_wait3A_371 : memref<1x1x4x2048xf32, #tpu.memory_space<vmem>> -> memref<4x2048xf32, #tpu.memory_space<vmem>>
      %dma_wait3A_373 = arith.constant 0 : i32
      %dma_wait3A_374 = tpu.memref_slice %arg2[%add3A_358, %dma_wait3A_373] : memref<16384x2048xf32, #tpu.memory_space<hbm>> -> memref<4x2048xf32, #tpu.memory_space<hbm>>
      tpu.wait_dma2 semaphore(%dma_wait3A_368 : memref<!tpu.dma_semaphore, #tpu.memory_space<semaphore_mem>>) src(%dma_wait3A_374 : memref<4x2048xf32, #tpu.memory_space<hbm>>) dst(%dma_wait3A_372 : memref<4x2048xf32, #tpu.memory_space<vmem>>)
      %add3A_375 = arith.constant 1 : i32
      %add3A_376 = arith.addi %scan3A_203, %add3A_375 : i32
      %lt3A_377 = arith.constant 4 : i32
      %lt3A_378 = arith.cmpi slt, %add3A_376, %lt3A_377 : i32
      %convert_element_type3A_379 = arith.extui %lt3A_378 : i1 to i32
      %cond3A_380 = arith.constant 0 : i32
      %cond3A_381 = arith.cmpi ne, %convert_element_type3A_379, %cond3A_380 : i32
      scf.if %cond3A_381 {
        %gt3A = arith.constant 0 : i32
        %gt3A_477 = arith.cmpi sgt, %scan3A_203, %gt3A : i32
        %convert_element_type3A_478 = arith.extui %gt3A_477 : i1 to i32
        %cond3A_479 = arith.constant 0 : i32
        %cond3A_480 = arith.cmpi ne, %convert_element_type3A_478, %cond3A_479 : i32
        scf.if %cond3A_480 {
          %sub3A = arith.constant 1 : i32
          %sub3A_504 = arith.subi %scan3A_203, %sub3A : i32
          %add3A_505 = arith.constant 1024 : i32
          %add3A_506 = arith.addi %add3A_505, %mul3A_2 : i32
          %mul3A_507 = arith.constant 4 : i32
          %mul3A_508 = arith.muli %sub3A_504, %mul3A_507 : i32
          %add3A_509 = arith.addi %add3A_506, %mul3A_508 : i32
          %dma_wait3A_510 = arith.constant 2 : i32
          %dma_wait3A_511 = arith.constant 2 : i32
          %dma_wait3A_512 = arith.constant 0 : i32
          %dma_wait3A_513 = arith.constant 0 : i32
          %dma_wait3A_514 = tpu.memref_slice %arg5[%dma_wait3A_510, %rem3A_209, %dma_wait3A_512, %dma_wait3A_513] : memref<4x2x4x2048xf32, #tpu.memory_space<vmem>> -> memref<1x1x4x2048xf32, #tpu.memory_space<vmem>>
          %dma_wait3A_515 = tpu.memref_squeeze %dma_wait3A_514 : memref<1x1x4x2048xf32, #tpu.memory_space<vmem>> -> memref<4x2048xf32, #tpu.memory_space<vmem>>
          %dma_wait3A_516 = arith.constant 0 : i32
          %dma_wait3A_517 = tpu.memref_slice %arg4[%add3A_509, %dma_wait3A_516] : memref<2048x2048xf32, #tpu.memory_space<hbm>> -> memref<4x2048xf32, #tpu.memory_space<hbm>>
          %dma_wait3A_518 = tpu.memref_slice %arg8[%dma_wait3A_511, %rem3A_209] : memref<4x2x!tpu.dma_semaphore, #tpu.memory_space<semaphore_mem>> -> memref<1x1x!tpu.dma_semaphore, #tpu.memory_space<semaphore_mem>>
          %dma_wait3A_519 = tpu.memref_squeeze %dma_wait3A_518 : memref<1x1x!tpu.dma_semaphore, #tpu.memory_space<semaphore_mem>> -> memref<!tpu.dma_semaphore, #tpu.memory_space<semaphore_mem>>
          %dma_wait3A_520 = arith.constant 0 : i32
          %dma_wait3A_521 = tpu.memref_slice %arg4[%add3A_509, %dma_wait3A_520] : memref<2048x2048xf32, #tpu.memory_space<hbm>> -> memref<4x2048xf32, #tpu.memory_space<hbm>>
          %dma_wait3A_522 = arith.constant 0 : i32
          %dma_wait3A_523 = arith.constant 0 : i32
          %dma_wait3A_524 = tpu.memref_slice %arg5[%dma_wait3A_510, %rem3A_209, %dma_wait3A_522, %dma_wait3A_523] : memref<4x2x4x2048xf32, #tpu.memory_space<vmem>> -> memref<1x1x4x2048xf32, #tpu.memory_space<vmem>>
          %dma_wait3A_525 = tpu.memref_squeeze %dma_wait3A_524 : memref<1x1x4x2048xf32, #tpu.memory_space<vmem>> -> memref<4x2048xf32, #tpu.memory_space<vmem>>
          tpu.wait_dma2 semaphore(%dma_wait3A_519 : memref<!tpu.dma_semaphore, #tpu.memory_space<semaphore_mem>>) src(%dma_wait3A_525 : memref<4x2048xf32, #tpu.memory_space<vmem>>) dst(%dma_wait3A_521 : memref<4x2048xf32, #tpu.memory_space<hbm>>)
        } else {
        }
        %add3A_481 = arith.constant 1 : i32
        %add3A_482 = arith.addi %scan3A_203, %add3A_481 : i32
        %add3A_483 = arith.constant 11776 : i32
        %add3A_484 = arith.addi %add3A_483, %mul3A_2 : i32
        %mul3A_485 = arith.constant 4 : i32
        %mul3A_486 = arith.muli %add3A_482, %mul3A_485 : i32
        %add3A_487 = arith.addi %add3A_484, %mul3A_486 : i32
        %dma_start3A_488 = arith.constant 2 : i32
        %dma_start3A_489 = arith.constant 2 : i32
        %dma_start3A_490 = arith.constant 0 : i32
        %dma_start3A_491 = arith.constant 0 : i32
        %dma_start3A_492 = tpu.memref_slice %arg5[%dma_start3A_488, %rem3A_209, %dma_start3A_490, %dma_start3A_491] : memref<4x2x4x2048xf32, #tpu.memory_space<vmem>> -> memref<1x1x4x2048xf32, #tpu.memory_space<vmem>>
        %dma_start3A_493 = tpu.memref_squeeze %dma_start3A_492 : memref<1x1x4x2048xf32, #tpu.memory_space<vmem>> -> memref<4x2048xf32, #tpu.memory_space<vmem>>
        %dma_start3A_494 = arith.constant 0 : i32
        %dma_start3A_495 = tpu.memref_slice %arg2[%add3A_487, %dma_start3A_494] : memref<16384x2048xf32, #tpu.memory_space<hbm>> -> memref<4x2048xf32, #tpu.memory_space<hbm>>
        %dma_start3A_496 = tpu.memref_slice %arg7[%dma_start3A_489, %rem3A_209] : memref<4x2x!tpu.dma_semaphore, #tpu.memory_space<semaphore_mem>> -> memref<1x1x!tpu.dma_semaphore, #tpu.memory_space<semaphore_mem>>
        %dma_start3A_497 = tpu.memref_squeeze %dma_start3A_496 : memref<1x1x!tpu.dma_semaphore, #tpu.memory_space<semaphore_mem>> -> memref<!tpu.dma_semaphore, #tpu.memory_space<semaphore_mem>>
        %dma_start3A_498 = arith.constant 0 : i32
        %dma_start3A_499 = arith.constant 0 : i32
        %dma_start3A_500 = tpu.memref_slice %arg5[%dma_start3A_488, %rem3A_209, %dma_start3A_498, %dma_start3A_499] : memref<4x2x4x2048xf32, #tpu.memory_space<vmem>> -> memref<1x1x4x2048xf32, #tpu.memory_space<vmem>>
        %dma_start3A_501 = tpu.memref_squeeze %dma_start3A_500 : memref<1x1x4x2048xf32, #tpu.memory_space<vmem>> -> memref<4x2048xf32, #tpu.memory_space<vmem>>
        %dma_start3A_502 = arith.constant 0 : i32
        %dma_start3A_503 = tpu.memref_slice %arg2[%add3A_487, %dma_start3A_502] : memref<16384x2048xf32, #tpu.memory_space<hbm>> -> memref<4x2048xf32, #tpu.memory_space<hbm>>
        tpu.enqueue_dma source(%dma_start3A_503 : memref<4x2048xf32, #tpu.memory_space<hbm>>) target(%dma_start3A_501 : memref<4x2048xf32, #tpu.memory_space<vmem>>) target_semaphore(%dma_start3A_497 : memref<!tpu.dma_semaphore, #tpu.memory_space<semaphore_mem>>)
      } else {
      }
      %parallel_loop3A_382 = arith.constant 0 : i32
      %parallel_loop3A_383 = arith.constant 128 : i32
      %parallel_loop3A_384 = arith.constant 1 : i32
      scf.for %parallel_loop3A_477 = %parallel_loop3A_382 to %parallel_loop3A_383 step %parallel_loop3A_384  : i32 {
        %parallel_loop3A_478 = arith.constant 16 : i32
        %parallel_loop3A_479 = arith.muli %parallel_loop3A_477, %parallel_loop3A_478 : i32
        %parallel_loop3A_480 = arith.constant 0 : i32
        %parallel_loop3A_481 = arith.index_cast %rem3A_205 : i32 to index
        %parallel_loop3A_482 = arith.index_cast %parallel_loop3A_480 : i32 to index
        %parallel_loop3A_483 = arith.index_cast %parallel_loop3A_479 : i32 to index
        %parallel_loop3A_484 = tpu.vector_load %arg6[%parallel_loop3A_481, %parallel_loop3A_482, %parallel_loop3A_483] {strides = array<i32>} : memref<2x4x2048xf32, #tpu.memory_space<vmem>>, vector<1x1x16xf32>,
        %parallel_loop3A_485 = vector.shape_cast %parallel_loop3A_484 : vector<1x1x16xf32> to vector<16xf32>
        %parallel_loop3A_486 = arith.constant 2 : i32
        %parallel_loop3A_487 = arith.constant 0 : i32
        %parallel_loop3A_488 = arith.index_cast %parallel_loop3A_486 : i32 to index
        %parallel_loop3A_489 = arith.index_cast %rem3A_205 : i32 to index
        %parallel_loop3A_490 = arith.index_cast %parallel_loop3A_487 : i32 to index
        %parallel_loop3A_491 = arith.index_cast %parallel_loop3A_479 : i32 to index
        %parallel_loop3A_492 = tpu.vector_load %arg5[%parallel_loop3A_488, %parallel_loop3A_489, %parallel_loop3A_490, %parallel_loop3A_491] {strides = array<i32>} : memref<4x2x4x2048xf32, #tpu.memory_space<vmem>>, vector<1x1x1x16xf32>,
        %parallel_loop3A_493 = vector.shape_cast %parallel_loop3A_492 : vector<1x1x1x16xf32> to vector<16xf32>
        %parallel_loop3A_494 = vector.shape_cast %parallel_loop3A_485 : vector<16xf32> to vector<1x1x1x16xf32>
        tpu.vector_store %arg5[%parallel_loop3A_488, %parallel_loop3A_489, %parallel_loop3A_490, %parallel_loop3A_491], %parallel_loop3A_494 {add = true, strides = array<i32>} : memref<4x2x4x2048xf32, #tpu.memory_space<vmem>>, vector<1x1x1x16xf32>,
      } {sc.loop_unroll_factor = 8 : i64, sc.parallel_access}
      %parallel_loop3A_385 = arith.constant 0 : i32
      %parallel_loop3A_386 = arith.constant 128 : i32
      %parallel_loop3A_387 = arith.constant 1 : i32
      scf.for %parallel_loop3A_477 = %parallel_loop3A_385 to %parallel_loop3A_386 step %parallel_loop3A_387  : i32 {
        %parallel_loop3A_478 = arith.constant 16 : i32
        %parallel_loop3A_479 = arith.muli %parallel_loop3A_477, %parallel_loop3A_478 : i32
        %parallel_loop3A_480 = arith.constant 1 : i32
        %parallel_loop3A_481 = arith.index_cast %rem3A_205 : i32 to index
        %parallel_loop3A_482 = arith.index_cast %parallel_loop3A_480 : i32 to index
        %parallel_loop3A_483 = arith.index_cast %parallel_loop3A_479 : i32 to index
        %parallel_loop3A_484 = tpu.vector_load %arg6[%parallel_loop3A_481, %parallel_loop3A_482, %parallel_loop3A_483] {strides = array<i32>} : memref<2x4x2048xf32, #tpu.memory_space<vmem>>, vector<1x1x16xf32>,
        %parallel_loop3A_485 = vector.shape_cast %parallel_loop3A_484 : vector<1x1x16xf32> to vector<16xf32>
        %parallel_loop3A_486 = arith.constant 2 : i32
        %parallel_loop3A_487 = arith.constant 1 : i32
        %parallel_loop3A_488 = arith.index_cast %parallel_loop3A_486 : i32 to index
        %parallel_loop3A_489 = arith.index_cast %rem3A_205 : i32 to index
        %parallel_loop3A_490 = arith.index_cast %parallel_loop3A_487 : i32 to index
        %parallel_loop3A_491 = arith.index_cast %parallel_loop3A_479 : i32 to index
        %parallel_loop3A_492 = tpu.vector_load %arg5[%parallel_loop3A_488, %parallel_loop3A_489, %parallel_loop3A_490, %parallel_loop3A_491] {strides = array<i32>} : memref<4x2x4x2048xf32, #tpu.memory_space<vmem>>, vector<1x1x1x16xf32>,
        %parallel_loop3A_493 = vector.shape_cast %parallel_loop3A_492 : vector<1x1x1x16xf32> to vector<16xf32>
        %parallel_loop3A_494 = vector.shape_cast %parallel_loop3A_485 : vector<16xf32> to vector<1x1x1x16xf32>
        tpu.vector_store %arg5[%parallel_loop3A_488, %parallel_loop3A_489, %parallel_loop3A_490, %parallel_loop3A_491], %parallel_loop3A_494 {add = true, strides = array<i32>} : memref<4x2x4x2048xf32, #tpu.memory_space<vmem>>, vector<1x1x1x16xf32>,
      } {sc.loop_unroll_factor = 8 : i64, sc.parallel_access}
      %parallel_loop3A_388 = arith.constant 0 : i32
      %parallel_loop3A_389 = arith.constant 128 : i32
      %parallel_loop3A_390 = arith.constant 1 : i32
      scf.for %parallel_loop3A_477 = %parallel_loop3A_388 to %parallel_loop3A_389 step %parallel_loop3A_390  : i32 {
        %parallel_loop3A_478 = arith.constant 16 : i32
        %parallel_loop3A_479 = arith.muli %parallel_loop3A_477, %parallel_loop3A_478 : i32
        %parallel_loop3A_480 = arith.constant 2 : i32
        %parallel_loop3A_481 = arith.index_cast %rem3A_205 : i32 to index
        %parallel_loop3A_482 = arith.index_cast %parallel_loop3A_480 : i32 to index
        %parallel_loop3A_483 = arith.index_cast %parallel_loop3A_479 : i32 to index
        %parallel_loop3A_484 = tpu.vector_load %arg6[%parallel_loop3A_481, %parallel_loop3A_482, %parallel_loop3A_483] {strides = array<i32>} : memref<2x4x2048xf32, #tpu.memory_space<vmem>>, vector<1x1x16xf32>,
        %parallel_loop3A_485 = vector.shape_cast %parallel_loop3A_484 : vector<1x1x16xf32> to vector<16xf32>
        %parallel_loop3A_486 = arith.constant 2 : i32
        %parallel_loop3A_487 = arith.constant 2 : i32
        %parallel_loop3A_488 = arith.index_cast %parallel_loop3A_486 : i32 to index
        %parallel_loop3A_489 = arith.index_cast %rem3A_205 : i32 to index
        %parallel_loop3A_490 = arith.index_cast %parallel_loop3A_487 : i32 to index
        %parallel_loop3A_491 = arith.index_cast %parallel_loop3A_479 : i32 to index
        %parallel_loop3A_492 = tpu.vector_load %arg5[%parallel_loop3A_488, %parallel_loop3A_489, %parallel_loop3A_490, %parallel_loop3A_491] {strides = array<i32>} : memref<4x2x4x2048xf32, #tpu.memory_space<vmem>>, vector<1x1x1x16xf32>,
        %parallel_loop3A_493 = vector.shape_cast %parallel_loop3A_492 : vector<1x1x1x16xf32> to vector<16xf32>
        %parallel_loop3A_494 = vector.shape_cast %parallel_loop3A_485 : vector<16xf32> to vector<1x1x1x16xf32>
        tpu.vector_store %arg5[%parallel_loop3A_488, %parallel_loop3A_489, %parallel_loop3A_490, %parallel_loop3A_491], %parallel_loop3A_494 {add = true, strides = array<i32>} : memref<4x2x4x2048xf32, #tpu.memory_space<vmem>>, vector<1x1x1x16xf32>,
      } {sc.loop_unroll_factor = 8 : i64, sc.parallel_access}
      %parallel_loop3A_391 = arith.constant 0 : i32
      %parallel_loop3A_392 = arith.constant 128 : i32
      %parallel_loop3A_393 = arith.constant 1 : i32
      scf.for %parallel_loop3A_477 = %parallel_loop3A_391 to %parallel_loop3A_392 step %parallel_loop3A_393  : i32 {
        %parallel_loop3A_478 = arith.constant 16 : i32
        %parallel_loop3A_479 = arith.muli %parallel_loop3A_477, %parallel_loop3A_478 : i32
        %parallel_loop3A_480 = arith.constant 3 : i32
        %parallel_loop3A_481 = arith.index_cast %rem3A_205 : i32 to index
        %parallel_loop3A_482 = arith.index_cast %parallel_loop3A_480 : i32 to index
        %parallel_loop3A_483 = arith.index_cast %parallel_loop3A_479 : i32 to index
        %parallel_loop3A_484 = tpu.vector_load %arg6[%parallel_loop3A_481, %parallel_loop3A_482, %parallel_loop3A_483] {strides = array<i32>} : memref<2x4x2048xf32, #tpu.memory_space<vmem>>, vector<1x1x16xf32>,
        %parallel_loop3A_485 = vector.shape_cast %parallel_loop3A_484 : vector<1x1x16xf32> to vector<16xf32>
        %parallel_loop3A_486 = arith.constant 2 : i32
        %parallel_loop3A_487 = arith.constant 3 : i32
        %parallel_loop3A_488 = arith.index_cast %parallel_loop3A_486 : i32 to index
        %parallel_loop3A_489 = arith.index_cast %rem3A_205 : i32 to index
        %parallel_loop3A_490 = arith.index_cast %parallel_loop3A_487 : i32 to index
        %parallel_loop3A_491 = arith.index_cast %parallel_loop3A_479 : i32 to index
        %parallel_loop3A_492 = tpu.vector_load %arg5[%parallel_loop3A_488, %parallel_loop3A_489, %parallel_loop3A_490, %parallel_loop3A_491] {strides = array<i32>} : memref<4x2x4x2048xf32, #tpu.memory_space<vmem>>, vector<1x1x1x16xf32>,
        %parallel_loop3A_493 = vector.shape_cast %parallel_loop3A_492 : vector<1x1x1x16xf32> to vector<16xf32>
        %parallel_loop3A_494 = vector.shape_cast %parallel_loop3A_485 : vector<16xf32> to vector<1x1x1x16xf32>
        tpu.vector_store %arg5[%parallel_loop3A_488, %parallel_loop3A_489, %parallel_loop3A_490, %parallel_loop3A_491], %parallel_loop3A_494 {add = true, strides = array<i32>} : memref<4x2x4x2048xf32, #tpu.memory_space<vmem>>, vector<1x1x1x16xf32>,
      } {sc.loop_unroll_factor = 8 : i64, sc.parallel_access}
      %add3A_394 = arith.constant 1024 : i32
      %add3A_395 = arith.addi %add3A_394, %mul3A_2 : i32
      %mul3A_396 = arith.constant 4 : i32
      %mul3A_397 = arith.muli %scan3A_203, %mul3A_396 : i32
      %add3A_398 = arith.addi %add3A_395, %mul3A_397 : i32
      %dma_start3A_399 = arith.constant 2 : i32
      %dma_start3A_400 = arith.constant 2 : i32
      %dma_start3A_401 = arith.constant 0 : i32
      %dma_start3A_402 = arith.constant 0 : i32
      %dma_start3A_403 = tpu.memref_slice %arg5[%dma_start3A_399, %rem3A_205, %dma_start3A_401, %dma_start3A_402] : memref<4x2x4x2048xf32, #tpu.memory_space<vmem>> -> memref<1x1x4x2048xf32, #tpu.memory_space<vmem>>
      %dma_start3A_404 = tpu.memref_squeeze %dma_start3A_403 : memref<1x1x4x2048xf32, #tpu.memory_space<vmem>> -> memref<4x2048xf32, #tpu.memory_space<vmem>>
      %dma_start3A_405 = arith.constant 0 : i32
      %dma_start3A_406 = tpu.memref_slice %arg4[%add3A_398, %dma_start3A_405] : memref<2048x2048xf32, #tpu.memory_space<hbm>> -> memref<4x2048xf32, #tpu.memory_space<hbm>>
      %dma_start3A_407 = tpu.memref_slice %arg8[%dma_start3A_400, %rem3A_205] : memref<4x2x!tpu.dma_semaphore, #tpu.memory_space<semaphore_mem>> -> memref<1x1x!tpu.dma_semaphore, #tpu.memory_space<semaphore_mem>>
      %dma_start3A_408 = tpu.memref_squeeze %dma_start3A_407 : memref<1x1x!tpu.dma_semaphore, #tpu.memory_space<semaphore_mem>> -> memref<!tpu.dma_semaphore, #tpu.memory_space<semaphore_mem>>
      %dma_start3A_409 = arith.constant 0 : i32
      %dma_start3A_410 = tpu.memref_slice %arg4[%add3A_398, %dma_start3A_409] : memref<2048x2048xf32, #tpu.memory_space<hbm>> -> memref<4x2048xf32, #tpu.memory_space<hbm>>
      %dma_start3A_411 = arith.constant 0 : i32
      %dma_start3A_412 = arith.constant 0 : i32
      %dma_start3A_413 = tpu.memref_slice %arg5[%dma_start3A_399, %rem3A_205, %dma_start3A_411, %dma_start3A_412] : memref<4x2x4x2048xf32, #tpu.memory_space<vmem>> -> memref<1x1x4x2048xf32, #tpu.memory_space<vmem>>
      %dma_start3A_414 = tpu.memref_squeeze %dma_start3A_413 : memref<1x1x4x2048xf32, #tpu.memory_space<vmem>> -> memref<4x2048xf32, #tpu.memory_space<vmem>>
      tpu.enqueue_dma source(%dma_start3A_414 : memref<4x2048xf32, #tpu.memory_space<vmem>>) target(%dma_start3A_410 : memref<4x2048xf32, #tpu.memory_space<hbm>>) target_semaphore(%dma_start3A_408 : memref<!tpu.dma_semaphore, #tpu.memory_space<semaphore_mem>>)
      %add3A_415 = arith.constant 15872 : i32
      %add3A_416 = arith.addi %add3A_415, %mul3A_2 : i32
      %mul3A_417 = arith.constant 4 : i32
      %mul3A_418 = arith.muli %scan3A_203, %mul3A_417 : i32
      %add3A_419 = arith.addi %add3A_416, %mul3A_418 : i32
      %dma_wait3A_420 = arith.constant 3 : i32
      %dma_wait3A_421 = arith.constant 3 : i32
      %dma_wait3A_422 = arith.constant 0 : i32
      %dma_wait3A_423 = arith.constant 0 : i32
      %dma_wait3A_424 = tpu.memref_slice %arg5[%dma_wait3A_420, %rem3A_205, %dma_wait3A_422, %dma_wait3A_423] : memref<4x2x4x2048xf32, #tpu.memory_space<vmem>> -> memref<1x1x4x2048xf32, #tpu.memory_space<vmem>>
      %dma_wait3A_425 = tpu.memref_squeeze %dma_wait3A_424 : memref<1x1x4x2048xf32, #tpu.memory_space<vmem>> -> memref<4x2048xf32, #tpu.memory_space<vmem>>
      %dma_wait3A_426 = arith.constant 0 : i32
      %dma_wait3A_427 = tpu.memref_slice %arg2[%add3A_419, %dma_wait3A_426] : memref<16384x2048xf32, #tpu.memory_space<hbm>> -> memref<4x2048xf32, #tpu.memory_space<hbm>>
      %dma_wait3A_428 = tpu.memref_slice %arg7[%dma_wait3A_421, %rem3A_205] : memref<4x2x!tpu.dma_semaphore, #tpu.memory_space<semaphore_mem>> -> memref<1x1x!tpu.dma_semaphore, #tpu.memory_space<semaphore_mem>>
      %dma_wait3A_429 = tpu.memref_squeeze %dma_wait3A_428 : memref<1x1x!tpu.dma_semaphore, #tpu.memory_space<semaphore_mem>> -> memref<!tpu.dma_semaphore, #tpu.memory_space<semaphore_mem>>
      %dma_wait3A_430 = arith.constant 0 : i32
      %dma_wait3A_431 = arith.constant 0 : i32
      %dma_wait3A_432 = tpu.memref_slice %arg5[%dma_wait3A_420, %rem3A_205, %dma_wait3A_430, %dma_wait3A_431] : memref<4x2x4x2048xf32, #tpu.memory_space<vmem>> -> memref<1x1x4x2048xf32, #tpu.memory_space<vmem>>
      %dma_wait3A_433 = tpu.memref_squeeze %dma_wait3A_432 : memref<1x1x4x2048xf32, #tpu.memory_space<vmem>> -> memref<4x2048xf32, #tpu.memory_space<vmem>>
      %dma_wait3A_434 = arith.constant 0 : i32
      %dma_wait3A_435 = tpu.memref_slice %arg2[%add3A_419, %dma_wait3A_434] : memref<16384x2048xf32, #tpu.memory_space<hbm>> -> memref<4x2048xf32, #tpu.memory_space<hbm>>
      tpu.wait_dma2 semaphore(%dma_wait3A_429 : memref<!tpu.dma_semaphore, #tpu.memory_space<semaphore_mem>>) src(%dma_wait3A_435 : memref<4x2048xf32, #tpu.memory_space<hbm>>) dst(%dma_wait3A_433 : memref<4x2048xf32, #tpu.memory_space<vmem>>)
      %add3A_436 = arith.constant 1 : i32
      %add3A_437 = arith.addi %scan3A_203, %add3A_436 : i32
      %lt3A_438 = arith.constant 4 : i32
      %lt3A_439 = arith.cmpi slt, %add3A_437, %lt3A_438 : i32
      %convert_element_type3A_440 = arith.extui %lt3A_439 : i1 to i32
      %cond3A_441 = arith.constant 0 : i32
      %cond3A_442 = arith.cmpi ne, %convert_element_type3A_440, %cond3A_441 : i32
      scf.if %cond3A_442 {
        %gt3A = arith.constant 0 : i32
        %gt3A_477 = arith.cmpi sgt, %scan3A_203, %gt3A : i32
        %convert_element_type3A_478 = arith.extui %gt3A_477 : i1 to i32
        %cond3A_479 = arith.constant 0 : i32
        %cond3A_480 = arith.cmpi ne, %convert_element_type3A_478, %cond3A_479 : i32
        scf.if %cond3A_480 {
          %sub3A = arith.constant 1 : i32
          %sub3A_504 = arith.subi %scan3A_203, %sub3A : i32
          %add3A_505 = arith.constant 1536 : i32
          %add3A_506 = arith.addi %add3A_505, %mul3A_2 : i32
          %mul3A_507 = arith.constant 4 : i32
          %mul3A_508 = arith.muli %sub3A_504, %mul3A_507 : i32
          %add3A_509 = arith.addi %add3A_506, %mul3A_508 : i32
          %dma_wait3A_510 = arith.constant 3 : i32
          %dma_wait3A_511 = arith.constant 3 : i32
          %dma_wait3A_512 = arith.constant 0 : i32
          %dma_wait3A_513 = arith.constant 0 : i32
          %dma_wait3A_514 = tpu.memref_slice %arg5[%dma_wait3A_510, %rem3A_209, %dma_wait3A_512, %dma_wait3A_513] : memref<4x2x4x2048xf32, #tpu.memory_space<vmem>> -> memref<1x1x4x2048xf32, #tpu.memory_space<vmem>>
          %dma_wait3A_515 = tpu.memref_squeeze %dma_wait3A_514 : memref<1x1x4x2048xf32, #tpu.memory_space<vmem>> -> memref<4x2048xf32, #tpu.memory_space<vmem>>
          %dma_wait3A_516 = arith.constant 0 : i32
          %dma_wait3A_517 = tpu.memref_slice %arg4[%add3A_509, %dma_wait3A_516] : memref<2048x2048xf32, #tpu.memory_space<hbm>> -> memref<4x2048xf32, #tpu.memory_space<hbm>>
          %dma_wait3A_518 = tpu.memref_slice %arg8[%dma_wait3A_511, %rem3A_209] : memref<4x2x!tpu.dma_semaphore, #tpu.memory_space<semaphore_mem>> -> memref<1x1x!tpu.dma_semaphore, #tpu.memory_space<semaphore_mem>>
          %dma_wait3A_519 = tpu.memref_squeeze %dma_wait3A_518 : memref<1x1x!tpu.dma_semaphore, #tpu.memory_space<semaphore_mem>> -> memref<!tpu.dma_semaphore, #tpu.memory_space<semaphore_mem>>
          %dma_wait3A_520 = arith.constant 0 : i32
          %dma_wait3A_521 = tpu.memref_slice %arg4[%add3A_509, %dma_wait3A_520] : memref<2048x2048xf32, #tpu.memory_space<hbm>> -> memref<4x2048xf32, #tpu.memory_space<hbm>>
          %dma_wait3A_522 = arith.constant 0 : i32
          %dma_wait3A_523 = arith.constant 0 : i32
          %dma_wait3A_524 = tpu.memref_slice %arg5[%dma_wait3A_510, %rem3A_209, %dma_wait3A_522, %dma_wait3A_523] : memref<4x2x4x2048xf32, #tpu.memory_space<vmem>> -> memref<1x1x4x2048xf32, #tpu.memory_space<vmem>>
          %dma_wait3A_525 = tpu.memref_squeeze %dma_wait3A_524 : memref<1x1x4x2048xf32, #tpu.memory_space<vmem>> -> memref<4x2048xf32, #tpu.memory_space<vmem>>
          tpu.wait_dma2 semaphore(%dma_wait3A_519 : memref<!tpu.dma_semaphore, #tpu.memory_space<semaphore_mem>>) src(%dma_wait3A_525 : memref<4x2048xf32, #tpu.memory_space<vmem>>) dst(%dma_wait3A_521 : memref<4x2048xf32, #tpu.memory_space<hbm>>)
        } else {
        }
        %add3A_481 = arith.constant 1 : i32
        %add3A_482 = arith.addi %scan3A_203, %add3A_481 : i32
        %add3A_483 = arith.constant 15872 : i32
        %add3A_484 = arith.addi %add3A_483, %mul3A_2 : i32
        %mul3A_485 = arith.constant 4 : i32
        %mul3A_486 = arith.muli %add3A_482, %mul3A_485 : i32
        %add3A_487 = arith.addi %add3A_484, %mul3A_486 : i32
        %dma_start3A_488 = arith.constant 3 : i32
        %dma_start3A_489 = arith.constant 3 : i32
        %dma_start3A_490 = arith.constant 0 : i32
        %dma_start3A_491 = arith.constant 0 : i32
        %dma_start3A_492 = tpu.memref_slice %arg5[%dma_start3A_488, %rem3A_209, %dma_start3A_490, %dma_start3A_491] : memref<4x2x4x2048xf32, #tpu.memory_space<vmem>> -> memref<1x1x4x2048xf32, #tpu.memory_space<vmem>>
        %dma_start3A_493 = tpu.memref_squeeze %dma_start3A_492 : memref<1x1x4x2048xf32, #tpu.memory_space<vmem>> -> memref<4x2048xf32, #tpu.memory_space<vmem>>
        %dma_start3A_494 = arith.constant 0 : i32
        %dma_start3A_495 = tpu.memref_slice %arg2[%add3A_487, %dma_start3A_494] : memref<16384x2048xf32, #tpu.memory_space<hbm>> -> memref<4x2048xf32, #tpu.memory_space<hbm>>
        %dma_start3A_496 = tpu.memref_slice %arg7[%dma_start3A_489, %rem3A_209] : memref<4x2x!tpu.dma_semaphore, #tpu.memory_space<semaphore_mem>> -> memref<1x1x!tpu.dma_semaphore, #tpu.memory_space<semaphore_mem>>
        %dma_start3A_497 = tpu.memref_squeeze %dma_start3A_496 : memref<1x1x!tpu.dma_semaphore, #tpu.memory_space<semaphore_mem>> -> memref<!tpu.dma_semaphore, #tpu.memory_space<semaphore_mem>>
        %dma_start3A_498 = arith.constant 0 : i32
        %dma_start3A_499 = arith.constant 0 : i32
        %dma_start3A_500 = tpu.memref_slice %arg5[%dma_start3A_488, %rem3A_209, %dma_start3A_498, %dma_start3A_499] : memref<4x2x4x2048xf32, #tpu.memory_space<vmem>> -> memref<1x1x4x2048xf32, #tpu.memory_space<vmem>>
        %dma_start3A_501 = tpu.memref_squeeze %dma_start3A_500 : memref<1x1x4x2048xf32, #tpu.memory_space<vmem>> -> memref<4x2048xf32, #tpu.memory_space<vmem>>
        %dma_start3A_502 = arith.constant 0 : i32
        %dma_start3A_503 = tpu.memref_slice %arg2[%add3A_487, %dma_start3A_502] : memref<16384x2048xf32, #tpu.memory_space<hbm>> -> memref<4x2048xf32, #tpu.memory_space<hbm>>
        tpu.enqueue_dma source(%dma_start3A_503 : memref<4x2048xf32, #tpu.memory_space<hbm>>) target(%dma_start3A_501 : memref<4x2048xf32, #tpu.memory_space<vmem>>) target_semaphore(%dma_start3A_497 : memref<!tpu.dma_semaphore, #tpu.memory_space<semaphore_mem>>)
      } else {
      }
      %parallel_loop3A_443 = arith.constant 0 : i32
      %parallel_loop3A_444 = arith.constant 128 : i32
      %parallel_loop3A_445 = arith.constant 1 : i32
      scf.for %parallel_loop3A_477 = %parallel_loop3A_443 to %parallel_loop3A_444 step %parallel_loop3A_445  : i32 {
        %parallel_loop3A_478 = arith.constant 16 : i32
        %parallel_loop3A_479 = arith.muli %parallel_loop3A_477, %parallel_loop3A_478 : i32
        %parallel_loop3A_480 = arith.constant 0 : i32
        %parallel_loop3A_481 = arith.index_cast %rem3A_205 : i32 to index
        %parallel_loop3A_482 = arith.index_cast %parallel_loop3A_480 : i32 to index
        %parallel_loop3A_483 = arith.index_cast %parallel_loop3A_479 : i32 to index
        %parallel_loop3A_484 = tpu.vector_load %arg6[%parallel_loop3A_481, %parallel_loop3A_482, %parallel_loop3A_483] {strides = array<i32>} : memref<2x4x2048xf32, #tpu.memory_space<vmem>>, vector<1x1x16xf32>,
        %parallel_loop3A_485 = vector.shape_cast %parallel_loop3A_484 : vector<1x1x16xf32> to vector<16xf32>
        %parallel_loop3A_486 = arith.constant 3 : i32
        %parallel_loop3A_487 = arith.constant 0 : i32
        %parallel_loop3A_488 = arith.index_cast %parallel_loop3A_486 : i32 to index
        %parallel_loop3A_489 = arith.index_cast %rem3A_205 : i32 to index
        %parallel_loop3A_490 = arith.index_cast %parallel_loop3A_487 : i32 to index
        %parallel_loop3A_491 = arith.index_cast %parallel_loop3A_479 : i32 to index
        %parallel_loop3A_492 = tpu.vector_load %arg5[%parallel_loop3A_488, %parallel_loop3A_489, %parallel_loop3A_490, %parallel_loop3A_491] {strides = array<i32>} : memref<4x2x4x2048xf32, #tpu.memory_space<vmem>>, vector<1x1x1x16xf32>,
        %parallel_loop3A_493 = vector.shape_cast %parallel_loop3A_492 : vector<1x1x1x16xf32> to vector<16xf32>
        %parallel_loop3A_494 = vector.shape_cast %parallel_loop3A_485 : vector<16xf32> to vector<1x1x1x16xf32>
        tpu.vector_store %arg5[%parallel_loop3A_488, %parallel_loop3A_489, %parallel_loop3A_490, %parallel_loop3A_491], %parallel_loop3A_494 {add = true, strides = array<i32>} : memref<4x2x4x2048xf32, #tpu.memory_space<vmem>>, vector<1x1x1x16xf32>,
      } {sc.loop_unroll_factor = 8 : i64, sc.parallel_access}
      %parallel_loop3A_446 = arith.constant 0 : i32
      %parallel_loop3A_447 = arith.constant 128 : i32
      %parallel_loop3A_448 = arith.constant 1 : i32
      scf.for %parallel_loop3A_477 = %parallel_loop3A_446 to %parallel_loop3A_447 step %parallel_loop3A_448  : i32 {
        %parallel_loop3A_478 = arith.constant 16 : i32
        %parallel_loop3A_479 = arith.muli %parallel_loop3A_477, %parallel_loop3A_478 : i32
        %parallel_loop3A_480 = arith.constant 1 : i32
        %parallel_loop3A_481 = arith.index_cast %rem3A_205 : i32 to index
        %parallel_loop3A_482 = arith.index_cast %parallel_loop3A_480 : i32 to index
        %parallel_loop3A_483 = arith.index_cast %parallel_loop3A_479 : i32 to index
        %parallel_loop3A_484 = tpu.vector_load %arg6[%parallel_loop3A_481, %parallel_loop3A_482, %parallel_loop3A_483] {strides = array<i32>} : memref<2x4x2048xf32, #tpu.memory_space<vmem>>, vector<1x1x16xf32>,
        %parallel_loop3A_485 = vector.shape_cast %parallel_loop3A_484 : vector<1x1x16xf32> to vector<16xf32>
        %parallel_loop3A_486 = arith.constant 3 : i32
        %parallel_loop3A_487 = arith.constant 1 : i32
        %parallel_loop3A_488 = arith.index_cast %parallel_loop3A_486 : i32 to index
        %parallel_loop3A_489 = arith.index_cast %rem3A_205 : i32 to index
        %parallel_loop3A_490 = arith.index_cast %parallel_loop3A_487 : i32 to index
        %parallel_loop3A_491 = arith.index_cast %parallel_loop3A_479 : i32 to index
        %parallel_loop3A_492 = tpu.vector_load %arg5[%parallel_loop3A_488, %parallel_loop3A_489, %parallel_loop3A_490, %parallel_loop3A_491] {strides = array<i32>} : memref<4x2x4x2048xf32, #tpu.memory_space<vmem>>, vector<1x1x1x16xf32>,
        %parallel_loop3A_493 = vector.shape_cast %parallel_loop3A_492 : vector<1x1x1x16xf32> to vector<16xf32>
        %parallel_loop3A_494 = vector.shape_cast %parallel_loop3A_485 : vector<16xf32> to vector<1x1x1x16xf32>
        tpu.vector_store %arg5[%parallel_loop3A_488, %parallel_loop3A_489, %parallel_loop3A_490, %parallel_loop3A_491], %parallel_loop3A_494 {add = true, strides = array<i32>} : memref<4x2x4x2048xf32, #tpu.memory_space<vmem>>, vector<1x1x1x16xf32>,
      } {sc.loop_unroll_factor = 8 : i64, sc.parallel_access}
      %parallel_loop3A_449 = arith.constant 0 : i32
      %parallel_loop3A_450 = arith.constant 128 : i32
      %parallel_loop3A_451 = arith.constant 1 : i32
      scf.for %parallel_loop3A_477 = %parallel_loop3A_449 to %parallel_loop3A_450 step %parallel_loop3A_451  : i32 {
        %parallel_loop3A_478 = arith.constant 16 : i32
        %parallel_loop3A_479 = arith.muli %parallel_loop3A_477, %parallel_loop3A_478 : i32
        %parallel_loop3A_480 = arith.constant 2 : i32
        %parallel_loop3A_481 = arith.index_cast %rem3A_205 : i32 to index
        %parallel_loop3A_482 = arith.index_cast %parallel_loop3A_480 : i32 to index
        %parallel_loop3A_483 = arith.index_cast %parallel_loop3A_479 : i32 to index
        %parallel_loop3A_484 = tpu.vector_load %arg6[%parallel_loop3A_481, %parallel_loop3A_482, %parallel_loop3A_483] {strides = array<i32>} : memref<2x4x2048xf32, #tpu.memory_space<vmem>>, vector<1x1x16xf32>,
        %parallel_loop3A_485 = vector.shape_cast %parallel_loop3A_484 : vector<1x1x16xf32> to vector<16xf32>
        %parallel_loop3A_486 = arith.constant 3 : i32
        %parallel_loop3A_487 = arith.constant 2 : i32
        %parallel_loop3A_488 = arith.index_cast %parallel_loop3A_486 : i32 to index
        %parallel_loop3A_489 = arith.index_cast %rem3A_205 : i32 to index
        %parallel_loop3A_490 = arith.index_cast %parallel_loop3A_487 : i32 to index
        %parallel_loop3A_491 = arith.index_cast %parallel_loop3A_479 : i32 to index
        %parallel_loop3A_492 = tpu.vector_load %arg5[%parallel_loop3A_488, %parallel_loop3A_489, %parallel_loop3A_490, %parallel_loop3A_491] {strides = array<i32>} : memref<4x2x4x2048xf32, #tpu.memory_space<vmem>>, vector<1x1x1x16xf32>,
        %parallel_loop3A_493 = vector.shape_cast %parallel_loop3A_492 : vector<1x1x1x16xf32> to vector<16xf32>
        %parallel_loop3A_494 = vector.shape_cast %parallel_loop3A_485 : vector<16xf32> to vector<1x1x1x16xf32>
        tpu.vector_store %arg5[%parallel_loop3A_488, %parallel_loop3A_489, %parallel_loop3A_490, %parallel_loop3A_491], %parallel_loop3A_494 {add = true, strides = array<i32>} : memref<4x2x4x2048xf32, #tpu.memory_space<vmem>>, vector<1x1x1x16xf32>,
      } {sc.loop_unroll_factor = 8 : i64, sc.parallel_access}
      %parallel_loop3A_452 = arith.constant 0 : i32
      %parallel_loop3A_453 = arith.constant 128 : i32
      %parallel_loop3A_454 = arith.constant 1 : i32
      scf.for %parallel_loop3A_477 = %parallel_loop3A_452 to %parallel_loop3A_453 step %parallel_loop3A_454  : i32 {
        %parallel_loop3A_478 = arith.constant 16 : i32
        %parallel_loop3A_479 = arith.muli %parallel_loop3A_477, %parallel_loop3A_478 : i32
        %parallel_loop3A_480 = arith.constant 3 : i32
        %parallel_loop3A_481 = arith.index_cast %rem3A_205 : i32 to index
        %parallel_loop3A_482 = arith.index_cast %parallel_loop3A_480 : i32 to index
        %parallel_loop3A_483 = arith.index_cast %parallel_loop3A_479 : i32 to index
        %parallel_loop3A_484 = tpu.vector_load %arg6[%parallel_loop3A_481, %parallel_loop3A_482, %parallel_loop3A_483] {strides = array<i32>} : memref<2x4x2048xf32, #tpu.memory_space<vmem>>, vector<1x1x16xf32>,
        %parallel_loop3A_485 = vector.shape_cast %parallel_loop3A_484 : vector<1x1x16xf32> to vector<16xf32>
        %parallel_loop3A_486 = arith.constant 3 : i32
        %parallel_loop3A_487 = arith.constant 3 : i32
        %parallel_loop3A_488 = arith.index_cast %parallel_loop3A_486 : i32 to index
        %parallel_loop3A_489 = arith.index_cast %rem3A_205 : i32 to index
        %parallel_loop3A_490 = arith.index_cast %parallel_loop3A_487 : i32 to index
        %parallel_loop3A_491 = arith.index_cast %parallel_loop3A_479 : i32 to index
        %parallel_loop3A_492 = tpu.vector_load %arg5[%parallel_loop3A_488, %parallel_loop3A_489, %parallel_loop3A_490, %parallel_loop3A_491] {strides = array<i32>} : memref<4x2x4x2048xf32, #tpu.memory_space<vmem>>, vector<1x1x1x16xf32>,
        %parallel_loop3A_493 = vector.shape_cast %parallel_loop3A_492 : vector<1x1x1x16xf32> to vector<16xf32>
        %parallel_loop3A_494 = vector.shape_cast %parallel_loop3A_485 : vector<16xf32> to vector<1x1x1x16xf32>
        tpu.vector_store %arg5[%parallel_loop3A_488, %parallel_loop3A_489, %parallel_loop3A_490, %parallel_loop3A_491], %parallel_loop3A_494 {add = true, strides = array<i32>} : memref<4x2x4x2048xf32, #tpu.memory_space<vmem>>, vector<1x1x1x16xf32>,
      } {sc.loop_unroll_factor = 8 : i64, sc.parallel_access}
      %add3A_455 = arith.constant 1536 : i32
      %add3A_456 = arith.addi %add3A_455, %mul3A_2 : i32
      %mul3A_457 = arith.constant 4 : i32
      %mul3A_458 = arith.muli %scan3A_203, %mul3A_457 : i32
      %add3A_459 = arith.addi %add3A_456, %mul3A_458 : i32
      %dma_start3A_460 = arith.constant 3 : i32
      %dma_start3A_461 = arith.constant 3 : i32
      %dma_start3A_462 = arith.constant 0 : i32
      %dma_start3A_463 = arith.constant 0 : i32
      %dma_start3A_464 = tpu.memref_slice %arg5[%dma_start3A_460, %rem3A_205, %dma_start3A_462, %dma_start3A_463] : memref<4x2x4x2048xf32, #tpu.memory_space<vmem>> -> memref<1x1x4x2048xf32, #tpu.memory_space<vmem>>
      %dma_start3A_465 = tpu.memref_squeeze %dma_start3A_464 : memref<1x1x4x2048xf32, #tpu.memory_space<vmem>> -> memref<4x2048xf32, #tpu.memory_space<vmem>>
      %dma_start3A_466 = arith.constant 0 : i32
      %dma_start3A_467 = tpu.memref_slice %arg4[%add3A_459, %dma_start3A_466] : memref<2048x2048xf32, #tpu.memory_space<hbm>> -> memref<4x2048xf32, #tpu.memory_space<hbm>>
      %dma_start3A_468 = tpu.memref_slice %arg8[%dma_start3A_461, %rem3A_205] : memref<4x2x!tpu.dma_semaphore, #tpu.memory_space<semaphore_mem>> -> memref<1x1x!tpu.dma_semaphore, #tpu.memory_space<semaphore_mem>>
      %dma_start3A_469 = tpu.memref_squeeze %dma_start3A_468 : memref<1x1x!tpu.dma_semaphore, #tpu.memory_space<semaphore_mem>> -> memref<!tpu.dma_semaphore, #tpu.memory_space<semaphore_mem>>
      %dma_start3A_470 = arith.constant 0 : i32
      %dma_start3A_471 = tpu.memref_slice %arg4[%add3A_459, %dma_start3A_470] : memref<2048x2048xf32, #tpu.memory_space<hbm>> -> memref<4x2048xf32, #tpu.memory_space<hbm>>
      %dma_start3A_472 = arith.constant 0 : i32
      %dma_start3A_473 = arith.constant 0 : i32
      %dma_start3A_474 = tpu.memref_slice %arg5[%dma_start3A_460, %rem3A_205, %dma_start3A_472, %dma_start3A_473] : memref<4x2x4x2048xf32, #tpu.memory_space<vmem>> -> memref<1x1x4x2048xf32, #tpu.memory_space<vmem>>
      %dma_start3A_475 = tpu.memref_squeeze %dma_start3A_474 : memref<1x1x4x2048xf32, #tpu.memory_space<vmem>> -> memref<4x2048xf32, #tpu.memory_space<vmem>>
      tpu.enqueue_dma source(%dma_start3A_475 : memref<4x2048xf32, #tpu.memory_space<vmem>>) target(%dma_start3A_471 : memref<4x2048xf32, #tpu.memory_space<hbm>>) target_semaphore(%dma_start3A_469 : memref<!tpu.dma_semaphore, #tpu.memory_space<semaphore_mem>>)
      %scan3A_476 = arith.constant 0 : i32
      scf.yield %scan3A_476 : i32
    }
    %scan3A_115 = arith.constant 4 : i32
    %add3A_116 = arith.constant 0 : i32
    %add3A_117 = arith.addi %add3A_116, %mul3A_2 : i32
    %add3A_118 = arith.constant 12 : i32
    %add3A_119 = arith.addi %add3A_117, %add3A_118 : i32
    %dma_wait3A = arith.constant 0 : i32
    %dma_wait3A_120 = arith.constant 1 : i32
    %dma_wait3A_121 = arith.constant 0 : i32
    %dma_wait3A_122 = arith.constant 1 : i32
    %dma_wait3A_123 = arith.constant 0 : i32
    %dma_wait3A_124 = arith.constant 0 : i32
    %dma_wait3A_125 = tpu.memref_slice %arg5[%dma_wait3A, %dma_wait3A_120, %dma_wait3A_123, %dma_wait3A_124] : memref<4x2x4x2048xf32, #tpu.memory_space<vmem>> -> memref<1x1x4x2048xf32, #tpu.memory_space<vmem>>
    %dma_wait3A_126 = tpu.memref_squeeze %dma_wait3A_125 : memref<1x1x4x2048xf32, #tpu.memory_space<vmem>> -> memref<4x2048xf32, #tpu.memory_space<vmem>>
    %dma_wait3A_127 = arith.constant 0 : i32
    %dma_wait3A_128 = tpu.memref_slice %arg4[%add3A_119, %dma_wait3A_127] : memref<2048x2048xf32, #tpu.memory_space<hbm>> -> memref<4x2048xf32, #tpu.memory_space<hbm>>
    %dma_wait3A_129 = tpu.memref_slice %arg8[%dma_wait3A_121, %dma_wait3A_122] : memref<4x2x!tpu.dma_semaphore, #tpu.memory_space<semaphore_mem>> -> memref<1x1x!tpu.dma_semaphore, #tpu.memory_space<semaphore_mem>>
    %dma_wait3A_130 = tpu.memref_squeeze %dma_wait3A_129 : memref<1x1x!tpu.dma_semaphore, #tpu.memory_space<semaphore_mem>> -> memref<!tpu.dma_semaphore, #tpu.memory_space<semaphore_mem>>
    %dma_wait3A_131 = arith.constant 0 : i32
    %dma_wait3A_132 = tpu.memref_slice %arg4[%add3A_119, %dma_wait3A_131] : memref<2048x2048xf32, #tpu.memory_space<hbm>> -> memref<4x2048xf32, #tpu.memory_space<hbm>>
    %dma_wait3A_133 = arith.constant 0 : i32
    %dma_wait3A_134 = arith.constant 0 : i32
    %dma_wait3A_135 = tpu.memref_slice %arg5[%dma_wait3A, %dma_wait3A_120, %dma_wait3A_133, %dma_wait3A_134] : memref<4x2x4x2048xf32, #tpu.memory_space<vmem>> -> memref<1x1x4x2048xf32, #tpu.memory_space<vmem>>
    %dma_wait3A_136 = tpu.memref_squeeze %dma_wait3A_135 : memref<1x1x4x2048xf32, #tpu.memory_space<vmem>> -> memref<4x2048xf32, #tpu.memory_space<vmem>>
    tpu.wait_dma2 semaphore(%dma_wait3A_130 : memref<!tpu.dma_semaphore, #tpu.memory_space<semaphore_mem>>) src(%dma_wait3A_136 : memref<4x2048xf32, #tpu.memory_space<vmem>>) dst(%dma_wait3A_132 : memref<4x2048xf32, #tpu.memory_space<hbm>>)
    %add3A_137 = arith.constant 512 : i32
    %add3A_138 = arith.addi %add3A_137, %mul3A_2 : i32
    %add3A_139 = arith.constant 12 : i32
    %add3A_140 = arith.addi %add3A_138, %add3A_139 : i32
    %dma_wait3A_141 = arith.constant 1 : i32
    %dma_wait3A_142 = arith.constant 1 : i32
    %dma_wait3A_143 = arith.constant 1 : i32
    %dma_wait3A_144 = arith.constant 1 : i32
    %dma_wait3A_145 = arith.constant 0 : i32
    %dma_wait3A_146 = arith.constant 0 : i32
    %dma_wait3A_147 = tpu.memref_slice %arg5[%dma_wait3A_141, %dma_wait3A_142, %dma_wait3A_145, %dma_wait3A_146] : memref<4x2x4x2048xf32, #tpu.memory_space<vmem>> -> memref<1x1x4x2048xf32, #tpu.memory_space<vmem>>
    %dma_wait3A_148 = tpu.memref_squeeze %dma_wait3A_147 : memref<1x1x4x2048xf32, #tpu.memory_space<vmem>> -> memref<4x2048xf32, #tpu.memory_space<vmem>>
    %dma_wait3A_149 = arith.constant 0 : i32
    %dma_wait3A_150 = tpu.memref_slice %arg4[%add3A_140, %dma_wait3A_149] : memref<2048x2048xf32, #tpu.memory_space<hbm>> -> memref<4x2048xf32, #tpu.memory_space<hbm>>
    %dma_wait3A_151 = tpu.memref_slice %arg8[%dma_wait3A_143, %dma_wait3A_144] : memref<4x2x!tpu.dma_semaphore, #tpu.memory_space<semaphore_mem>> -> memref<1x1x!tpu.dma_semaphore, #tpu.memory_space<semaphore_mem>>
    %dma_wait3A_152 = tpu.memref_squeeze %dma_wait3A_151 : memref<1x1x!tpu.dma_semaphore, #tpu.memory_space<semaphore_mem>> -> memref<!tpu.dma_semaphore, #tpu.memory_space<semaphore_mem>>
    %dma_wait3A_153 = arith.constant 0 : i32
    %dma_wait3A_154 = tpu.memref_slice %arg4[%add3A_140, %dma_wait3A_153] : memref<2048x2048xf32, #tpu.memory_space<hbm>> -> memref<4x2048xf32, #tpu.memory_space<hbm>>
    %dma_wait3A_155 = arith.constant 0 : i32
    %dma_wait3A_156 = arith.constant 0 : i32
    %dma_wait3A_157 = tpu.memref_slice %arg5[%dma_wait3A_141, %dma_wait3A_142, %dma_wait3A_155, %dma_wait3A_156] : memref<4x2x4x2048xf32, #tpu.memory_space<vmem>> -> memref<1x1x4x2048xf32, #tpu.memory_space<vmem>>
    %dma_wait3A_158 = tpu.memref_squeeze %dma_wait3A_157 : memref<1x1x4x2048xf32, #tpu.memory_space<vmem>> -> memref<4x2048xf32, #tpu.memory_space<vmem>>
    tpu.wait_dma2 semaphore(%dma_wait3A_152 : memref<!tpu.dma_semaphore, #tpu.memory_space<semaphore_mem>>) src(%dma_wait3A_158 : memref<4x2048xf32, #tpu.memory_space<vmem>>) dst(%dma_wait3A_154 : memref<4x2048xf32, #tpu.memory_space<hbm>>)
    %add3A_159 = arith.constant 1024 : i32
    %add3A_160 = arith.addi %add3A_159, %mul3A_2 : i32
    %add3A_161 = arith.constant 12 : i32
    %add3A_162 = arith.addi %add3A_160, %add3A_161 : i32
    %dma_wait3A_163 = arith.constant 2 : i32
    %dma_wait3A_164 = arith.constant 1 : i32
    %dma_wait3A_165 = arith.constant 2 : i32
    %dma_wait3A_166 = arith.constant 1 : i32
    %dma_wait3A_167 = arith.constant 0 : i32
    %dma_wait3A_168 = arith.constant 0 : i32
    %dma_wait3A_169 = tpu.memref_slice %arg5[%dma_wait3A_163, %dma_wait3A_164, %dma_wait3A_167, %dma_wait3A_168] : memref<4x2x4x2048xf32, #tpu.memory_space<vmem>> -> memref<1x1x4x2048xf32, #tpu.memory_space<vmem>>
    %dma_wait3A_170 = tpu.memref_squeeze %dma_wait3A_169 : memref<1x1x4x2048xf32, #tpu.memory_space<vmem>> -> memref<4x2048xf32, #tpu.memory_space<vmem>>
    %dma_wait3A_171 = arith.constant 0 : i32
    %dma_wait3A_172 = tpu.memref_slice %arg4[%add3A_162, %dma_wait3A_171] : memref<2048x2048xf32, #tpu.memory_space<hbm>> -> memref<4x2048xf32, #tpu.memory_space<hbm>>
    %dma_wait3A_173 = tpu.memref_slice %arg8[%dma_wait3A_165, %dma_wait3A_166] : memref<4x2x!tpu.dma_semaphore, #tpu.memory_space<semaphore_mem>> -> memref<1x1x!tpu.dma_semaphore, #tpu.memory_space<semaphore_mem>>
    %dma_wait3A_174 = tpu.memref_squeeze %dma_wait3A_173 : memref<1x1x!tpu.dma_semaphore, #tpu.memory_space<semaphore_mem>> -> memref<!tpu.dma_semaphore, #tpu.memory_space<semaphore_mem>>
    %dma_wait3A_175 = arith.constant 0 : i32
    %dma_wait3A_176 = tpu.memref_slice %arg4[%add3A_162, %dma_wait3A_175] : memref<2048x2048xf32, #tpu.memory_space<hbm>> -> memref<4x2048xf32, #tpu.memory_space<hbm>>
    %dma_wait3A_177 = arith.constant 0 : i32
    %dma_wait3A_178 = arith.constant 0 : i32
    %dma_wait3A_179 = tpu.memref_slice %arg5[%dma_wait3A_163, %dma_wait3A_164, %dma_wait3A_177, %dma_wait3A_178] : memref<4x2x4x2048xf32, #tpu.memory_space<vmem>> -> memref<1x1x4x2048xf32, #tpu.memory_space<vmem>>
    %dma_wait3A_180 = tpu.memref_squeeze %dma_wait3A_179 : memref<1x1x4x2048xf32, #tpu.memory_space<vmem>> -> memref<4x2048xf32, #tpu.memory_space<vmem>>
    tpu.wait_dma2 semaphore(%dma_wait3A_174 : memref<!tpu.dma_semaphore, #tpu.memory_space<semaphore_mem>>) src(%dma_wait3A_180 : memref<4x2048xf32, #tpu.memory_space<vmem>>) dst(%dma_wait3A_176 : memref<4x2048xf32, #tpu.memory_space<hbm>>)
    %add3A_181 = arith.constant 1536 : i32
    %add3A_182 = arith.addi %add3A_181, %mul3A_2 : i32
    %add3A_183 = arith.constant 12 : i32
    %add3A_184 = arith.addi %add3A_182, %add3A_183 : i32
    %dma_wait3A_185 = arith.constant 3 : i32
    %dma_wait3A_186 = arith.constant 1 : i32
    %dma_wait3A_187 = arith.constant 3 : i32
    %dma_wait3A_188 = arith.constant 1 : i32
    %dma_wait3A_189 = arith.constant 0 : i32
    %dma_wait3A_190 = arith.constant 0 : i32
    %dma_wait3A_191 = tpu.memref_slice %arg5[%dma_wait3A_185, %dma_wait3A_186, %dma_wait3A_189, %dma_wait3A_190] : memref<4x2x4x2048xf32, #tpu.memory_space<vmem>> -> memref<1x1x4x2048xf32, #tpu.memory_space<vmem>>
    %dma_wait3A_192 = tpu.memref_squeeze %dma_wait3A_191 : memref<1x1x4x2048xf32, #tpu.memory_space<vmem>> -> memref<4x2048xf32, #tpu.memory_space<vmem>>
    %dma_wait3A_193 = arith.constant 0 : i32
    %dma_wait3A_194 = tpu.memref_slice %arg4[%add3A_184, %dma_wait3A_193] : memref<2048x2048xf32, #tpu.memory_space<hbm>> -> memref<4x2048xf32, #tpu.memory_space<hbm>>
    %dma_wait3A_195 = tpu.memref_slice %arg8[%dma_wait3A_187, %dma_wait3A_188] : memref<4x2x!tpu.dma_semaphore, #tpu.memory_space<semaphore_mem>> -> memref<1x1x!tpu.dma_semaphore, #tpu.memory_space<semaphore_mem>>
    %dma_wait3A_196 = tpu.memref_squeeze %dma_wait3A_195 : memref<1x1x!tpu.dma_semaphore, #tpu.memory_space<semaphore_mem>> -> memref<!tpu.dma_semaphore, #tpu.memory_space<semaphore_mem>>
    %dma_wait3A_197 = arith.constant 0 : i32
    %dma_wait3A_198 = tpu.memref_slice %arg4[%add3A_184, %dma_wait3A_197] : memref<2048x2048xf32, #tpu.memory_space<hbm>> -> memref<4x2048xf32, #tpu.memory_space<hbm>>
    %dma_wait3A_199 = arith.constant 0 : i32
    %dma_wait3A_200 = arith.constant 0 : i32
    %dma_wait3A_201 = tpu.memref_slice %arg5[%dma_wait3A_185, %dma_wait3A_186, %dma_wait3A_199, %dma_wait3A_200] : memref<4x2x4x2048xf32, #tpu.memory_space<vmem>> -> memref<1x1x4x2048xf32, #tpu.memory_space<vmem>>
    %dma_wait3A_202 = tpu.memref_squeeze %dma_wait3A_201 : memref<1x1x4x2048xf32, #tpu.memory_space<vmem>> -> memref<4x2048xf32, #tpu.memory_space<vmem>>
    tpu.wait_dma2 semaphore(%dma_wait3A_196 : memref<!tpu.dma_semaphore, #tpu.memory_space<semaphore_mem>>) src(%dma_wait3A_202 : memref<4x2048xf32, #tpu.memory_space<vmem>>) dst(%dma_wait3A_198 : memref<4x2048xf32, #tpu.memory_space<hbm>>)
    return
  }
}

module attributes {stable_mosaic.version = 14 : i64} {
  func.func @_tc_body(%arg0: i32, %arg1: i32, %arg2: memref<512x2048xf32, #tpu.memory_space<vmem>>, %arg3: memref<512x2048xf32, #tpu.memory_space<vmem>>, %arg4: memref<512x2048xf32, #tpu.memory_space<vmem>>) attributes {dimension_semantics = [#tpu.dimension_semantics<arbitrary>, #tpu.dimension_semantics<arbitrary>], iteration_bounds = array<i64: 7, 4>, scalar_prefetch = 0 : i64, scratch_operands = 0 : i64, tpu.core_type = #tpu.core_type<tc>, window_params = [{transform_indices = @transform_0, window_bounds = array<i64: 512, 2048>}, {transform_indices = @transform_1, window_bounds = array<i64: 512, 2048>}, {transform_indices = @transform_2, window_bounds = array<i64: 512, 2048>}]} {
    %get3A = arith.constant 0 : index
    %get3A_0 = arith.constant 0 : index
    %get3A_1 = vector.load %arg3[%get3A, %get3A_0] : memref<512x2048xf32, #tpu.memory_space<vmem>>, vector<512x2048xf32>
    %get3A_2 = arith.constant 0 : index
    %get3A_3 = arith.constant 0 : index
    %get3A_4 = vector.load %arg2[%get3A_2, %get3A_3] : memref<512x2048xf32, #tpu.memory_space<vmem>>, vector<512x2048xf32>
    %add3A = arith.addf %get3A_1, %get3A_4 : vector<512x2048xf32>
    %swap3A = arith.constant 0 : index
    %swap3A_5 = arith.constant 0 : index
    %swap3A_6 = vector.load %arg4[%swap3A, %swap3A_5] : memref<512x2048xf32, #tpu.memory_space<vmem>>, vector<512x2048xf32>
    tpu.vector_store %arg4[%swap3A, %swap3A_5], %add3A {strides = array<i32>} : memref<512x2048xf32, #tpu.memory_space<vmem>>, vector<512x2048xf32>,
    return
  }
  func.func @transform_0(%arg0: i32, %arg1: i32) -> (i32, i32) {
    %c0_i32 = arith.constant 0 : i32
    %c0_i32_0 = arith.constant 0 : i32
    return %arg0, %c0_i32 : i32, i32
  }
  func.func @transform_1(%arg0: i32, %arg1: i32) -> (i32, i32) {
    %mul3A = arith.constant 8 : i32
    %mul3A_0 = arith.muli %arg1, %mul3A : i32
    %add3A = arith.addi %mul3A_0, %arg0 : i32
    %c0_i32 = arith.constant 0 : i32
    %c0_i32_1 = arith.constant 0 : i32
    return %add3A, %c0_i32 : i32, i32
  }
  func.func @transform_2(%arg0: i32, %arg1: i32) -> (i32, i32) {
    %mul3A = arith.constant 8 : i32
    %mul3A_0 = arith.muli %arg1, %mul3A : i32
    %add3A = arith.addi %mul3A_0, %arg0 : i32
    %c0_i32 = arith.constant 0 : i32
    %c0_i32_1 = arith.constant 0 : i32
    return %add3A, %c0_i32 : i32, i32
  }
}

</mosaic_0001>

<sc_bundles>
// kernel: kernel.4.cloned.1.call-start
scs
__scs_entry_jumppad:
0x0: {  	(pc) =	sbr.rel $0x88, $3  }
0x1: {  	(tag) =	ssettag $0x0;
	lr =	simm.s32 $0x1  }
0x2: {  	[smem:$0x3F9F] =	sst lr;
	_ =	strace $0xD0000000  }
0x3: {  	_ = 	snop  }
0x4: {  	_ = 	snop  }
0x5: {  	_ = 	snop  }
0x6: {  	_ = 	snop  }
0x7: {  	_ = 	snop  }
__scs_overlays_trampoline_lowered:
0x8: {  	[smem:$0x3FAE] =	sst s0  }
0x9: {  	[smem:$0x3FAF] =	sst s1  }
0xa: {  	[smem:$0x3FB0] =	sst s2  }
0xb: {  	[smem:$0x3FB1] =	sst s3  }
0xc: {  	[smem:$0x3FB2] =	sst s4  }
0xd: {  	[smem:$0x3FB3] =	sst s5  }
0xe: {  	[smem:$0x3FB4] =	sst s6  }
0xf: {  	[smem:$0x3FB5] =	sst s7  }
0x10: {  	[smem:$0x3FB6] =	sst s8  }
0x11: {  	[smem:$0x3FB7] =	sst s9;
	s0 =	simm.s32 @!p0 $0x0  }
0x12: {  	s1 =	sld [smem:$0x3F9D];
	s0 =	simm.s32 @p0 $0x1  }
0x13: {  	[smem:$0x3FB8] =	sst s0;
	s0 =	simm.s32 @!p1 $0x0  }
0x14: {  	s2 =	sld [smem:$0x3F9C];
	s0 =	simm.s32 @p1 $0x1  }
0x15: {  	[smem:$0x3FB9] =	sst s0;
	s0 =	simm.s32 @!p2 $0x0  }
0x16: {  	s3 =	sld [smem:$0x3FDB];
	s0 =	simm.s32 @p2 $0x1  }
0x17: {  	s4 =	simm.s32 $0x1BF5;
	[smem:$0x3FBB] =	sst s0  }
0x18: {  	s0 =	sld [smem:$0x3F9E];
	_ =	swait.ge [sflag:s4], $0x0  }
0x19: {  	s7 =	sld [smem:$0x3F9F]  }
0x1a: {  	s8 =	sadd.s32 $0xFFFFE003, lr  }
0x1b: {  	s9 =	sadd.s32 $0xFFFFFEF7, lr;
	s5 =	simm.s32 $0xFFFFFFFF;
	p2 =	slt.u32 s8, $0xFFFFF086  }
0x1c: {  	p1 =	slt.u32 s9, $0xF7A;
	s5 =	simm.s32 @!p2 $0x0  }
0x1d: {  	s5 =	simm.s32 @p1 $0x1;
	p0 =	seq.s32 s7, s2  }
0x1e: {  	s7 =	smul.u32 @!p0 $0xF7A, s2;
	p2 =	seq.s32 @!p0 s5, $0x0  }
0x1f: {  	s9 =	smul.u32 $0xF7A, s1;
	s8 =	simm.s32 @!p0 $0x1BF5;
	p2 =	por !p2, p0  }
0x20: {  	[sflag:s8] =	ssyncset.s32 @!p0 $0xFFFFF086;
	s6 =	sadd.s32 @!p0 s3, s7;
	s7 =	simm.s32 @!p0 $0x108  }
0x21: {  	s3 =	sadd.s32 s3, s9;
	s6 =	sadd.s32 @!p0 $0x88, s6;
	s7 =	simm.s32 @p2 $0x1082  }
0x22: {  	[simem:s7], [sflag:s8] =	dma.local @!p0 [hbm:s6], $0xF7A  }
0x23: {  	s9 =	sor.u32 $0xD0000000, s2;
	s6 =	simm.s32 $0x108;
	_ =	swait.ge @!p0 [sflag:s8], $0x0  }
0x24: {  	s3 =	sadd.s32 $0x88, s3;
	s6 =	simm.s32 @!p1 $0x1082;
	[sflag:s4] =	ssyncset.s32 $0xFFFFF086  }
0x25: {  	[simem:s6], [sflag:s4] =	dma.local [hbm:s3], $0xF7A  }
0x26: {  	[smem:$0x3F9F] =	sst s1;
	(tag) =	ssettag s2;
	_ =	strace s9  }
0x27: {  	s1 =	sld [smem:$0x3FAF]  }
0x28: {  	s2 =	sld [smem:$0x3FB0]  }
0x29: {  	s4 =	sld [smem:$0x3FB2]  }
0x2a: {  	p0 =	seq.s32 s5, $0x0;
	s5 =	sld [smem:$0x3FB3]  }
0x2b: {  	s6 =	sld [smem:$0x3FB4]  }
0x2c: {  	s7 =	sld [smem:$0x3FB5]  }
0x2d: {  	s3 =	simm.s32 $0x108;
	s8 =	sld [smem:$0x3FB6]  }
0x2e: {  	s3 =	simm.s32 @!p0 $0x1082;
	s9 =	sld [smem:$0x3FB7]  }
0x2f: {  	lr =	sadd.s32 s0, s3;
	s0 =	sld [smem:$0x3FAE]  }
0x30: {  	s3 =	sld [smem:$0x3FB1]  }
0x31: {  	[smem:$0x3FBA] =	sst s10  }
0x32: {  	s10 =	sld [smem:$0x3FB8];
	_ =	sdelay $0x3  }
0x33: {  	p0 =	seq.s32 s10, $0x1;
	s10 =	sld [smem:$0x3FBA];
	_ =	sdelay $0x3  }
0x34: {  	[smem:$0x3FBA] =	sst s10  }
0x35: {  	s10 =	sld [smem:$0x3FB9];
	_ =	sdelay $0x3  }
0x36: {  	p1 =	seq.s32 s10, $0x1;
	s10 =	sld [smem:$0x3FBA];
	_ =	sdelay $0x3  }
0x37: {  	[smem:$0x3FBA] =	sst s10  }
0x38: {  	s10 =	sld [smem:$0x3FBB]  }
0x39: {  	_ = 	snop;
	(pc) =	sbr.ind lr, $3  }
0x3a: {  	_ = 	snop  }
0x3b: {  	_ = 	snop  }
0x3c: {  	p2 =	seq.s32 s10, $0x1;
	s10 =	sld [smem:$0x3FBA]  }
0x3d: {  	_ =	shalt  }
0x3e: {  	_ =	shalt  }
0x3f: {  	_ =	shalt  }
0x40: {  	_ =	shalt  }
0x41: {  	_ =	shalt  }
0x42: {  	_ =	shalt  }
0x43: {  	_ =	shalt  }
0x44: {  	_ =	shalt  }
0x45: {  	_ =	shalt  }
0x46: {  	_ =	shalt  }
0x47: {  	_ =	shalt  }
0x48: {  	_ =	shalt  }
0x49: {  	_ =	shalt  }
0x4a: {  	_ =	shalt  }
0x4b: {  	_ =	shalt  }
0x4c: {  	_ =	shalt  }
0x4d: {  	_ =	shalt  }
0x4e: {  	_ =	shalt  }
0x4f: {  	_ =	shalt  }
0x50: {  	_ =	shalt  }
0x51: {  	_ =	shalt  }
0x52: {  	_ =	shalt  }
0x53: {  	_ =	shalt  }
0x54: {  	_ =	shalt  }
0x55: {  	_ =	shalt  }
0x56: {  	_ =	shalt  }
0x57: {  	_ =	shalt  }
0x58: {  	_ =	shalt  }
0x59: {  	_ =	shalt  }
0x5a: {  	_ =	shalt  }
0x5b: {  	_ =	shalt  }
0x5c: {  	_ =	shalt  }
0x5d: {  	_ =	shalt  }
0x5e: {  	_ =	shalt  }
0x5f: {  	_ =	shalt  }
0x60: {  	_ =	shalt  }
0x61: {  	_ =	shalt  }
0x62: {  	_ =	shalt  }
0x63: {  	_ =	shalt  }
0x64: {  	_ =	shalt  }
0x65: {  	_ =	shalt  }
0x66: {  	_ =	shalt  }
0x67: {  	_ =	shalt  }
0x68: {  	_ =	shalt  }
0x69: {  	_ =	shalt  }
0x6a: {  	_ =	shalt  }
0x6b: {  	_ =	shalt  }
0x6c: {  	_ =	shalt  }
0x6d: {  	_ =	shalt  }
0x6e: {  	_ =	shalt  }
0x6f: {  	_ =	shalt  }
0x70: {  	_ =	shalt  }
0x71: {  	_ =	shalt  }
0x72: {  	_ =	shalt  }
0x73: {  	_ =	shalt  }
0x74: {  	_ =	shalt  }
0x75: {  	_ =	shalt  }
0x76: {  	_ =	shalt  }
0x77: {  	_ =	shalt  }
0x78: {  	_ =	shalt  }
0x79: {  	_ =	shalt  }
0x7a: {  	_ =	shalt  }
0x7b: {  	_ =	shalt  }
0x7c: {  	_ =	shalt  }
0x7d: {  	_ =	shalt  }
0x7e: {  	_ =	shalt  }
0x7f: {  	_ =	shalt  }
0x80: {  	_ =	shalt  }
0x81: {  	_ =	shalt  }
0x82: {  	_ =	shalt  }
0x83: {  	_ =	shalt  }
0x84: {  	_ =	shalt  }
0x85: {  	_ =	shalt  }
0x86: {  	_ =	shalt  }
0x87: {  	_ =	shalt  }
.Lfunc_end0:
.L_simem_size_0:
called_computation_lowered:
.L_overlay_start_0:
0x88: {  	s2 =	sld [smem:$0x3FD9]  }
0x89: {  	s3 =	sld [smem:$0x3FFE];
	_ =	sdelay $0x1  }
0x8a: {  	s1 =	srdreg.scid  }
0x8b: {  	s0 =	sand.u32 $0x1, s1  }
0x8c: {  	s17 =	sshll.u32 s0, $0xA;
	s2 =	sadd.s32 s3, s2  }
0x8d: {  	s2 =	sadd.s32 s2, s17  }
0x8e: {  	[smem:$0x3FC6] =	sst s2  }
0x8f: {  	_ = 	snop  }
0x90: {  	s2 =	sld [smem:$0x3FC9]  }
0x91: {  	s18 =	sld [smem:$0x3FC8];
	(tm) =	ssettm $0x1  }
0x92: {  	s4 =	sld [smem:$0x3FFB];
	_ =	sdelay $0x3  }
0x93: {  	_ =	strace s4  }
0x94: {  	s4 =	sld [smem:$0x3FFC];
	_ =	sdelay $0x3  }
0x95: {  	_ =	strace s4  }
0x96: {  	s4 =	sld [smem:$0x3FFD];
	_ =	sdelay $0x3  }
0x97: {  	_ =	strace s4  }
0x98: {  	_ =	strace $0x8FFFFFFF  }
0x99: {  	s19 =	sld [smem:$0x3FDB];
	_ =	sdelay $0x1  }
0x9a: {  	s5 =	simm.s32 $_scs_section_size  }
0x9b: {  	s6 =	simm.s32 $_size__tile_overlayer_lowered;
	s7 =	simm.s32 $_tile_overlayer_lowered  }
0x9c: {  	s22 =	simm.s32 $0x1BFF;
	s21 =	sshll.u32 s7, $0x1;
	s4 =	sadd.s32 s5, s19  }
0x9d: {  	s8 =	simm.s32 $0x0;
	s20 =	sshll.u32 s6, $0x1;
	s6 =	sadd.s32 s21, s4  }
0x9e: {  	[timem:s8], [sflag:s22] =	dma.local [hbm:s6], s20  }
0x9f: {  	_ =	swait.ge [sflag:s22], s20  }
0xa0: {  	s5 =	ssub.s32 $0x0, s20;
	[sflag:s22] =	ssyncset.done $0x0  }
0xa1: {  	[sflag:s22] =	ssyncadd.s32 s5;
	_ =	sdelay $0x1  }
0xa2: {  	s23 =	simm.s32 $0x1B8B  }
0xa3: {  	_ =	swait.ge [sflag:s23], $0x1  }
0xa4: {  	[sflag:s23] =	ssyncset.done $0x0  }
0xa5: {  	s25 =	simm.s32 $0x1B8E;
	s24 =	sld [smem:$0x3FFE];
	[sflag:s23] =	ssyncadd.s32 $0xFFFFFFFF  }
0xa6: {  	s26 =	simm.s32 $execute0_lowered;
	[smem:$0x3FD2] =	sst s25  }
0xa7: {  	s6 =	sshll.u32 s26, $0x1;
	_ =	strace $0x80000046;
	[dreg:$0x1] =	wrdreg $0xFFFFFFFF  }
0xa8: {  	s28 =	simm.s32 $_size_execute0_lowered;
	s4 =	sadd.s32 s4, s6;
	[dreg:$0x0] =	wrdreg $0x0  }
0xa9: {  	s6 =	sshll.u32 s28, $0x1;
	[dreg:$0x2] =	wrdreg s4  }
0xaa: {  	[dreg:$0x3] =	wrdreg s6  }
0xab: {  	[dreg:$0x4] =	wrdreg $0xC0  }
0xac: {  	_ =	task [dreg:s8], $0x5FFFF  }
0xad: {  	[dreg:$0x1] =	wrdreg $0xFFFFFFFF  }
0xae: {  	[dreg:$0x0] =	wrdreg $0x60  }
0xaf: {  	[dreg:$0x2] =	wrdreg s2  }
0xb0: {  	[dreg:$0x3] =	wrdreg s18  }
0xb1: {  	[dreg:$0x4] =	wrdreg s24  }
0xb2: {  	[dreg:$0x5] =	wrdreg $0x9  }
0xb3: {  	_ =	task.clear_ibuf [dreg:s8], $0x6FFFF;
	_ =	strace $0x90000046  }
0xb4: {  	s29 =	simm.s32 $0x9;
	_ =	strace $0x80000048  }
0xb5: {  	_ =	swait.ge [sflag:s29], $0x1  }
0xb6: {  	[sflag:s29] =	ssyncadd.s32 $0xFFFFFFFF  }
0xb7: {  	_ =	strace $0x90000048  }
0xb8: {  	_ =	sfence  }
0xb9: {  	s30 =	sld [smem:$0x0];
	_ =	sdelay $0x2  }
0xba: {  	s31 =	sshll.u32 s1, $0xD;
	s1 =	sshrl.u32 s1, $0x2  }
0xbb: {  	s3 =	sand.u32 $0x4000, s31;
	s1 =	sadd.s32 s1, s30  }
0xbc: {  	s0 =	sor.u32 s3, s0;
	s1 =	sshll.u32 s1, $0x11  }
0xbd: {  	s0 =	sor.u32 s1, s0  }
0xbe: {  	s0 =	sadd.s32 $0x8F2B, s0  }
0xbf: {  	[sflag:s0] =	ssyncadd.remote.s32 $0x1  }
0xc0: {  	_ =	sfence.sel $0xFFFF  }
0xc1: {  	[dreg:$0x0] =	wrdreg $0xFFFFFFFF;
	(pc) =	sbr.abs _section_cstart, $3  }
0xc2: {  	[dreg:$0x1] =	wrdreg $0xFFFFFFFF  }
0xc3: {  	_ =	task.clear_ibuf [dreg:s8], $0x2FFFF;
	_ =	strace $0x9FFFFFFF  }
0xc4: {  	(tm) =	ssettm $0x7FFFFFFF  }
0xc5: {  	_ =	shalt  }
tec
execute0_lowered:
.L_overlay_start_1:
0x0: {  	(tag) =	ssettag $0x1  }
0x1: {  	s1 =	rddreg [dreg:$0x0]  }
0x2: {  	s2 =	rddreg [dreg:$0x1]  }
0x3: {  	s0 =	rddreg [dreg:$0x2];
	s3 =	srdreg.scid  }
0x4: {  	s5 =	simm.s32 $0x0;
	s4 =	stileid.u32;
	s29 =	simm.s32 $0xE  }
0x5: {  	s30 =	simm.s32 $0x10;
	s31 =	simm.s32 $0x0;
	s3 =	sand.u32 $0x1, s3  }
0x6: {  	[smem:$0x7FF] =	sst s5;
	s4 =	sshll.u32 s4, $0xD;
	s20 =	sshll.u32 s3, $0xC  }
0x7: {  	s6 =	sadd.s32 $0x400, s0;
	s16 =	sadd.s32 $0x20400, s0;
	s5 =	sor.u32 s20, s4  }
0x8: {  	s17 =	sadd.s32 $0x40400, s0;
	s3 =	ssub.s32 $0x2, s3;
	s7 =	sor.u32 $0xE0000, s5  }
0x9: {  	_ =	strace $0x80000047;
	s21 =	sshrl.u32 s3, $0x1;
	s22 =	sadd.s32 s2, s7  }
0xa: {  	s10 =	sor.u32 $0x1E0000, s5;
	s23 =	sadd.s32 s1, s7;
	[dreg:$0x4] =	wrdreg s22  }
0xb: {  	s11 =	sor.u32 $0x2E0000, s5;
	s24 =	sadd.s32 s1, s10;
	[dreg:$0x5] =	wrdreg s23  }
0xc: {  	s12 =	sor.u32 $0x3E0000, s5;
	s25 =	sadd.s32 s1, s11;
	[dreg:$0x6] =	wrdreg s24  }
0xd: {  	s3 =	ssub.s32 s3, s21;
	s26 =	sadd.s32 s1, s12;
	[dreg:$0x7] =	wrdreg s25  }
0xe: {  	s18 =	sadd.s32 $0x60400, s0;
	s28 =	smax.u32 s3, $0x1;
	[dreg:$0x8] =	wrdreg s26  }
0xf: {  	s20 =	simm.s32 $0x200;
	s21 =	simm.s32 $0x400;
	[dreg:$0x9] =	wrdreg s28  }
.LBB2_1:
0x10: {  	s0 =	rddreg [dreg:$0x4]  }
0x11: {  	s3 =	simm.s32 $0x10000;
	s19 =	rddreg [dreg:$0x5]  }
0x12: {  	[tilespmem:s3], [sflag:$0x11] =	stream.strided.gather [hbm4b:s0+s20], $0x2000, s21, s20, $0x38;
	[tilespmem:$0x14000] =	vst v63  }
0x13: {  	s15 =	simm.s32 $0x0;
	s22 =	rddreg [dreg:$0x6]  }
0x14: {  	[tilespmem:s15], [sflag:$0x1] =	stream.strided.gather [hbm4b:s19+s20], $0x2000, s21, s20, $0x38;
	[tilespmem:$0x14000] =	vst v63  }
0x15: {  	s23 =	simm.s32 $0x4000;
	s24 =	rddreg [dreg:$0x7]  }
0x16: {  	[tilespmem:s23], [sflag:$0x3] =	stream.strided.gather [hbm4b:s22+s20], $0x2000, s21, s20, $0x38;
	[tilespmem:$0x14000] =	vst v63  }
0x17: {  	s25 =	simm.s32 $0x8000;
	s26 =	rddreg [dreg:$0x8]  }
0x18: {  	[tilespmem:s25], [sflag:$0x5] =	stream.strided.gather [hbm4b:s24+s20], $0x2000, s21, s20, $0x38;
	[tilespmem:$0x14000] =	vst v63  }
0x19: {  	s28 =	simm.s32 $0xC000;
	p0 =	por $0x0, $0x0;
	s0 =	simm.s32 $0x0  }
0x1a: {  	[tilespmem:s28], [sflag:$0x7] =	stream.strided.gather [hbm4b:s26+s20], $0x2000, s21, s20, $0x38;
	[tilespmem:$0x14000] =	vst v63  }
.LBB2_2:
0x1b: {  	s4 =	sand.u32 $0x1, s0;
	s23 =	sadd.s32 $0x1, s0  }
0x1c: {  	p1 =	seq.s32 s0, $0x3;
	p2 =	seq.s32 s0, $0x0;
	s3 =	sadd.s32 $0x11, s4  }
0x1d: {  	s22 =	sand.u32 $0x1, s23;
	s8 =	sshll.u32 @!p1 s23, $0xA;
	_ =	swait.ge [sflag:s3], $0x2000  }
0x1e: {  	s14 =	simm.s32 @!p1 $0x400;
	s28 =	sadd.s32 $0x1, s4;
	[sflag:s3] =	ssyncset.done $0x0  }
0x1f: {  	[sflag:s3] =	ssyncadd.s32 $0xFFFFE000;
	s3 =	sadd.s32 @!p1 s7, s8;
	s8 =	sshll.u32 @!p1 s23, $0x6  }
0x20: {  	s9 =	sshll.u32 @!p1 s22, $0xD;
	s13 =	sadd.s32 @!p1 $0x11, s22;
	s8 =	sand.u32 @!p1 $0x40, s8  }
0x21: {  	s9 =	sor.u32 @!p1 $0x10000, s9;
	s3 =	sand.u32 @!p1 $0xFFFF800, s3;
	s8 =	sadd.s32 @!p1 s2, s8  }
.Ltmp0:
0x22: {  	s3 =	sadd.s32 @!p1 s3, s8;
	s8 =	simm.s32 @!p1 $0x200;
	(pc) =	sbr.rel @p2 .LBB2_5-.Ltmp0, $4  }
0x23: {  	[tilespmem:s9], [sflag:s13] =	stream.strided.gather @!p1 [hbm4b:s3+s8], $0x2000, s14, s8, $0x38;
	[tilespmem:$0x14000] =	vst v63  }
0x24: {  	_ =	swait.ge [sflag:s28], $0x2000  }
0x25: {  	[sflag:s28] =	ssyncset.done $0x0  }
0x26: {  	[sflag:s28] =	ssyncadd.s32 $0xFFFFE000  }
.Ltmp1:
0x27: {  	(pc) =	sbr.rel @p1 .LBB2_6-.Ltmp1, $1  }
0x28: {  	_ =	sdelay $0x3  }
0x29: {  	s3 =	sadd.s32 $0x9, s22  }
0x2a: {  	_ =	swait.ge [sflag:s3], $0x2000  }
0x2b: {  	[sflag:s3] =	ssyncset.done $0x0  }
0x2c: {  	[sflag:s3] =	ssyncadd.s32 $0xFFFFE000  }
.LBB2_5:
0x2d: {  	s3 =	sshll.u32 s23, $0xA;
	s8 =	sshll.u32 s23, $0x6  }
0x2e: {  	s3 =	sadd.s32 s7, s3;
	s8 =	sand.u32 $0x40, s8  }
0x2f: {  	s3 =	sand.u32 $0xFFFF800, s3;
	s8 =	sadd.s32 s1, s8  }
0x30: {  	s9 =	sshll.u32 s22, $0xD;
	s13 =	sadd.s32 $0x1, s22;
	s3 =	sadd.s32 s3, s8  }
0x31: {  	[tilespmem:s9], [sflag:s13] =	stream.strided.gather [hbm4b:s3+s20], $0x2000, s21, s20, $0x38;
	[tilespmem:$0x14000] =	vst v63  }
.LBB2_6:
0x32: {  	s3 =	simm.s32 $0x1  }
0x33: {  	s3 =	simm.s32 @!p0 $0x0  }
0x34: {  	s3 =	sshll.u32 s3, $0xF  }
0x35: {  	s3 =	sshrl.u32 s3, $0x2  }
0x36: {  	s9 =	sadd.s32 $0x10040, s3  }
0x37: {  	v0 =	vld [tilespmem:s9+$0x30]  }
0x38: {  	v2 =	vld [tilespmem:s9+$0xFFFFFFC0]  }
0x39: {  	v3 =	vld [tilespmem:s9+$0xFFFFFFD0]  }
0x3a: {  	v4 =	vld [tilespmem:s9+$0xFFFFFFE0]  }
0x3b: {  	v5 =	vld [tilespmem:s9+$0xFFFFFFF0]  }
0x3c: {  	v6 =	vld [tilespmem:s9+$0x0]  }
0x3d: {  	s8 =	sadd.s32 $0x0, s3;
	v1 =	vld [tilespmem:s9+$0x10]  }
0x3e: {  	[tilespmem:s8+$0x70] =	vst.add.f32.msk $0xffff, v0  }
0x3f: {  	v0 =	vld [tilespmem:s9+$0x20]  }
0x40: {  	[tilespmem:s8+$0x0] =	vst.add.f32.msk $0xffff, v2  }
0x41: {  	[tilespmem:s8+$0x10] =	vst.add.f32.msk $0xffff, v3  }
0x42: {  	[tilespmem:s8+$0x20] =	vst.add.f32.msk $0xffff, v4  }
0x43: {  	s24 =	sshll.u32 s4, $0xD;
	s13 =	simm.s32 $0x10040;
	[tilespmem:s8+$0x30] =	vst.add.f32.msk $0xffff, v5  }
0x44: {  	s14 =	simm.s32 $0x0;
	s15 =	simm.s32 $0x0;
	s9 =	simm.s32 $0x0;
	[tilespmem:s8+$0x40] =	vst.add.f32.msk $0xffff, v6  }
.LBB2_7:
0x45: {  	s14 =	sadd.s32 $0x8, s14;
	[tilespmem:s8+$0x50] =	vst.add.f32.msk $0xffff, v1;
	s13 =	sadd.s32 $0x200, s13  }
0x46: {  	s19 =	sadd.s32 s3, s13;
	p3 =	slt.u32 s14, $0x78;
	[tilespmem:s8+$0x60] =	vst.add.f32.msk $0xffff, v0  }
0x47: {  	v0 =	vld [tilespmem:s19+$0x30]  }
0x48: {  	v2 =	vld [tilespmem:s19+$0xFFFFFFC0]  }
0x49: {  	v3 =	vld [tilespmem:s19+$0xFFFFFFD0]  }
0x4a: {  	s15 =	sadd.s32 $0x200, s15;
	v4 =	vld [tilespmem:s19+$0xFFFFFFE0]  }
0x4b: {  	s8 =	sadd.s32 s3, s15;
	v5 =	vld [tilespmem:s19+$0xFFFFFFF0]  }
0x4c: {  	[tilespmem:s8+$0x70] =	vst.add.f32.msk $0xffff, v0  }
0x4d: {  	v6 =	vld [tilespmem:s19+$0x0]  }
0x4e: {  	v1 =	vld [tilespmem:s19+$0x10]  }
0x4f: {  	v0 =	vld [tilespmem:s19+$0x20]  }
.Ltmp2:
0x50: {  	[tilespmem:s8+$0x0] =	vst.add.f32.msk $0xffff, v2;
	(pc) =	sbr.rel @p3 .LBB2_7-.Ltmp2, $4  }
0x51: {  	[tilespmem:s8+$0x10] =	vst.add.f32.msk $0xffff, v3  }
0x52: {  	[tilespmem:s8+$0x20] =	vst.add.f32.msk $0xffff, v4  }
0x53: {  	[tilespmem:s8+$0x30] =	vst.add.f32.msk $0xffff, v5  }
0x54: {  	[tilespmem:s8+$0x40] =	vst.add.f32.msk $0xffff, v6  }
0x55: {  	[tilespmem:s8+$0x50] =	vst.add.f32.msk $0xffff, v1  }
0x56: {  	[tilespmem:s8+$0x60] =	vst.add.f32.msk $0xffff, v0;
	s28 =	sadd.s32 $0x100F0, s3  }
0x57: {  	v0 =	vld [tilespmem:s28+$0x0]  }
0x58: {  	v1 =	vld [tilespmem:s28+$0xFFFFFF90]  }
0x59: {  	v2 =	vld [tilespmem:s28+$0xFFFFFFA0]  }
0x5a: {  	v3 =	vld [tilespmem:s28+$0xFFFFFFB0]  }
0x5b: {  	v4 =	vld [tilespmem:s28+$0xFFFFFFC0]  }
0x5c: {  	v5 =	vld [tilespmem:s28+$0xFFFFFFD0]  }
0x5d: {  	s13 =	sadd.s32 $0x0, s3;
	v6 =	vld [tilespmem:s28+$0xFFFFFFE0]  }
0x5e: {  	[tilespmem:s13+$0xF0] =	vst.add.f32.msk $0xffff, v0  }
0x5f: {  	v0 =	vld [tilespmem:s28+$0xFFFFFFF0]  }
0x60: {  	[tilespmem:s13+$0x80] =	vst.add.f32.msk $0xffff, v1  }
0x61: {  	[tilespmem:s13+$0x90] =	vst.add.f32.msk $0xffff, v2  }
0x62: {  	[tilespmem:s13+$0xA0] =	vst.add.f32.msk $0xffff, v3  }
0x63: {  	[tilespmem:s13+$0xB0] =	vst.add.f32.msk $0xffff, v4  }
0x64: {  	[tilespmem:s13+$0xC0] =	vst.add.f32.msk $0xffff, v5  }
0x65: {  	s14 =	simm.s32 $0x0;
	s15 =	simm.s32 $0x102F0;
	[tilespmem:s13+$0xD0] =	vst.add.f32.msk $0xffff, v6  }
.LBB2_9:
0x66: {  	s19 =	sadd.s32 s3, s15;
	s14 =	sadd.s32 $0x8, s14;
	[tilespmem:s13+$0xE0] =	vst.add.f32.msk $0xffff, v0  }
0x67: {  	v0 =	vld [tilespmem:s19+$0x0];
	p3 =	slt.u32 s14, $0x78  }
0x68: {  	v1 =	vld [tilespmem:s19+$0xFFFFFF90]  }
0x69: {  	v2 =	vld [tilespmem:s19+$0xFFFFFFA0]  }
0x6a: {  	s9 =	sadd.s32 $0x200, s9;
	v3 =	vld [tilespmem:s19+$0xFFFFFFB0]  }
0x6b: {  	s13 =	sadd.s32 s3, s9;
	v4 =	vld [tilespmem:s19+$0xFFFFFFC0]  }
0x6c: {  	s8 =	simm.s32 $0x0;
	[tilespmem:s13+$0xF0] =	vst.add.f32.msk $0xffff, v0  }
0x6d: {  	v5 =	vld [tilespmem:s19+$0xFFFFFFD0]  }
0x6e: {  	v6 =	vld [tilespmem:s19+$0xFFFFFFE0]  }
0x6f: {  	v0 =	vld [tilespmem:s19+$0xFFFFFFF0]  }
0x70: {  	[tilespmem:s13+$0x80] =	vst.add.f32.msk $0xffff, v1  }
.Ltmp3:
0x71: {  	[tilespmem:s13+$0x90] =	vst.add.f32.msk $0xffff, v2;
	(pc) =	sbr.rel @p3 .LBB2_9-.Ltmp3, $4  }
0x72: {  	[tilespmem:s13+$0xA0] =	vst.add.f32.msk $0xffff, v3  }
0x73: {  	[tilespmem:s13+$0xB0] =	vst.add.f32.msk $0xffff, v4  }
0x74: {  	[tilespmem:s13+$0xC0] =	vst.add.f32.msk $0xffff, v5  }
0x75: {  	s15 =	sadd.s32 $0x200, s15;
	[tilespmem:s13+$0xD0] =	vst.add.f32.msk $0xffff, v6  }
0x76: {  	[tilespmem:s13+$0xE0] =	vst.add.f32.msk $0xffff, v0;
	s28 =	sadd.s32 $0x10170, s3  }
0x77: {  	v0 =	vld [tilespmem:s28+$0x0]  }
0x78: {  	v1 =	vld [tilespmem:s28+$0xFFFFFF90]  }
0x79: {  	v2 =	vld [tilespmem:s28+$0xFFFFFFA0]  }
0x7a: {  	v3 =	vld [tilespmem:s28+$0xFFFFFFB0]  }
0x7b: {  	v4 =	vld [tilespmem:s28+$0xFFFFFFC0]  }
0x7c: {  	v5 =	vld [tilespmem:s28+$0xFFFFFFD0]  }
0x7d: {  	s9 =	sadd.s32 $0x0, s3;
	v6 =	vld [tilespmem:s28+$0xFFFFFFE0]  }
0x7e: {  	[tilespmem:s9+$0x170] =	vst.add.f32.msk $0xffff, v0  }
0x7f: {  	v0 =	vld [tilespmem:s28+$0xFFFFFFF0]  }
0x80: {  	[tilespmem:s9+$0x100] =	vst.add.f32.msk $0xffff, v1  }
0x81: {  	[tilespmem:s9+$0x110] =	vst.add.f32.msk $0xffff, v2  }
0x82: {  	[tilespmem:s9+$0x120] =	vst.add.f32.msk $0xffff, v3  }
0x83: {  	[tilespmem:s9+$0x130] =	vst.add.f32.msk $0xffff, v4  }
0x84: {  	[tilespmem:s9+$0x140] =	vst.add.f32.msk $0xffff, v5  }
0x85: {  	s13 =	simm.s32 $0x0;
	s14 =	simm.s32 $0x10370;
	s15 =	simm.s32 $0x0;
	[tilespmem:s9+$0x150] =	vst.add.f32.msk $0xffff, v6  }
.LBB2_11:
0x86: {  	s19 =	sadd.s32 s3, s14;
	s13 =	sadd.s32 $0x8, s13;
	[tilespmem:s9+$0x160] =	vst.add.f32.msk $0xffff, v0  }
0x87: {  	v0 =	vld [tilespmem:s19+$0x0];
	p3 =	slt.u32 s13, $0x78  }
0x88: {  	v1 =	vld [tilespmem:s19+$0xFFFFFF90]  }
0x89: {  	v2 =	vld [tilespmem:s19+$0xFFFFFFA0]  }
0x8a: {  	s15 =	sadd.s32 $0x200, s15;
	v3 =	vld [tilespmem:s19+$0xFFFFFFB0]  }
0x8b: {  	s9 =	sadd.s32 s3, s15;
	v4 =	vld [tilespmem:s19+$0xFFFFFFC0]  }
0x8c: {  	[tilespmem:s9+$0x170] =	vst.add.f32.msk $0xffff, v0  }
0x8d: {  	v5 =	vld [tilespmem:s19+$0xFFFFFFD0]  }
0x8e: {  	v6 =	vld [tilespmem:s19+$0xFFFFFFE0]  }
0x8f: {  	v0 =	vld [tilespmem:s19+$0xFFFFFFF0]  }
0x90: {  	[tilespmem:s9+$0x100] =	vst.add.f32.msk $0xffff, v1  }
.Ltmp4:
0x91: {  	[tilespmem:s9+$0x110] =	vst.add.f32.msk $0xffff, v2;
	(pc) =	sbr.rel @p3 .LBB2_11-.Ltmp4, $4  }
0x92: {  	[tilespmem:s9+$0x120] =	vst.add.f32.msk $0xffff, v3  }
0x93: {  	[tilespmem:s9+$0x130] =	vst.add.f32.msk $0xffff, v4  }
0x94: {  	[tilespmem:s9+$0x140] =	vst.add.f32.msk $0xffff, v5  }
0x95: {  	s14 =	sadd.s32 $0x200, s14;
	[tilespmem:s9+$0x150] =	vst.add.f32.msk $0xffff, v6  }
0x96: {  	[tilespmem:s9+$0x160] =	vst.add.f32.msk $0xffff, v0;
	s13 =	sadd.s32 $0x101F0, s3  }
0x97: {  	v0 =	vld [tilespmem:s13+$0x0]  }
0x98: {  	v1 =	vld [tilespmem:s13+$0xFFFFFF90]  }
0x99: {  	v2 =	vld [tilespmem:s13+$0xFFFFFFA0]  }
0x9a: {  	v3 =	vld [tilespmem:s13+$0xFFFFFFB0]  }
0x9b: {  	v4 =	vld [tilespmem:s13+$0xFFFFFFC0]  }
0x9c: {  	v5 =	vld [tilespmem:s13+$0xFFFFFFD0]  }
0x9d: {  	s9 =	sadd.s32 $0x0, s3;
	v6 =	vld [tilespmem:s13+$0xFFFFFFE0]  }
0x9e: {  	[tilespmem:s9+$0x1F0] =	vst.add.f32.msk $0xffff, v0  }
0x9f: {  	v0 =	vld [tilespmem:s13+$0xFFFFFFF0]  }
0xa0: {  	[tilespmem:s9+$0x180] =	vst.add.f32.msk $0xffff, v1  }
0xa1: {  	[tilespmem:s9+$0x190] =	vst.add.f32.msk $0xffff, v2  }
0xa2: {  	[tilespmem:s9+$0x1A0] =	vst.add.f32.msk $0xffff, v3  }
0xa3: {  	[tilespmem:s9+$0x1B0] =	vst.add.f32.msk $0xffff, v4  }
0xa4: {  	[tilespmem:s9+$0x1C0] =	vst.add.f32.msk $0xffff, v5  }
0xa5: {  	s14 =	simm.s32 $0x103F0;
	s13 =	simm.s32 $0x0;
	[tilespmem:s9+$0x1D0] =	vst.add.f32.msk $0xffff, v6  }
.LBB2_13:
0xa6: {  	s15 =	sadd.s32 s3, s14;
	s13 =	sadd.s32 $0x8, s13;
	[tilespmem:s9+$0x1E0] =	vst.add.f32.msk $0xffff, v0  }
0xa7: {  	v0 =	vld [tilespmem:s15+$0x0];
	p3 =	slt.u32 s13, $0x78  }
0xa8: {  	v1 =	vld [tilespmem:s15+$0xFFFFFF90]  }
0xa9: {  	v2 =	vld [tilespmem:s15+$0xFFFFFFA0]  }
0xaa: {  	s8 =	sadd.s32 $0x200, s8;
	v3 =	vld [tilespmem:s15+$0xFFFFFFB0]  }
0xab: {  	s9 =	sadd.s32 s3, s8;
	v4 =	vld [tilespmem:s15+$0xFFFFFFC0]  }
0xac: {  	[tilespmem:s9+$0x1F0] =	vst.add.f32.msk $0xffff, v0  }
0xad: {  	v5 =	vld [tilespmem:s15+$0xFFFFFFD0]  }
0xae: {  	v6 =	vld [tilespmem:s15+$0xFFFFFFE0]  }
0xaf: {  	v0 =	vld [tilespmem:s15+$0xFFFFFFF0]  }
0xb0: {  	[tilespmem:s9+$0x180] =	vst.add.f32.msk $0xffff, v1  }
.Ltmp5:
0xb1: {  	[tilespmem:s9+$0x190] =	vst.add.f32.msk $0xffff, v2;
	(pc) =	sbr.rel @p3 .LBB2_13-.Ltmp5, $4  }
0xb2: {  	[tilespmem:s9+$0x1A0] =	vst.add.f32.msk $0xffff, v3  }
0xb3: {  	[tilespmem:s9+$0x1B0] =	vst.add.f32.msk $0xffff, v4  }
0xb4: {  	[tilespmem:s9+$0x1C0] =	vst.add.f32.msk $0xffff, v5  }
0xb5: {  	s14 =	sadd.s32 $0x200, s14;
	[tilespmem:s9+$0x1D0] =	vst.add.f32.msk $0xffff, v6  }
0xb6: {  	s8 =	sshll.u32 s0, $0xA;
	s13 =	sshll.u32 s0, $0x6  }
0xb7: {  	s8 =	sand.u32 $0x800, s8;
	s13 =	sand.u32 $0x40, s13  }
0xb8: {  	s8 =	sor.u32 s13, s8  }
0xb9: {  	s19 =	sadd.s32 $0x9, s4;
	s25 =	sor.u32 s5, s8;
	s8 =	sor.u32 $0x2, s0  }
.Ltmp6:
0xba: {  	[tilespmem:s9+$0x1E0] =	vst.add.f32.msk $0xffff, v0;
	s26 =	sadd.s32 s6, s25;
	s28 =	sadd.s32 $0x1, s8;
	(pc) =	sbr.rel @p2 .LBB2_17-.Ltmp6, $4  }
0xbb: {  	[hbm4b:s26+s20] =	stream.strided.scatter [tilespmem:s24], [sflag:s19], $0x2000, s21, s20, $0x38;
	[tilespmem:$0x14000] =	vst v63  }
0xbc: {  	_ =	swait.ge [sflag:s28], $0x2000  }
0xbd: {  	[sflag:s28] =	ssyncset.done $0x0  }
0xbe: {  	[sflag:s28] =	ssyncadd.s32 $0xFFFFE000  }
.Ltmp7:
0xbf: {  	(pc) =	sbr.rel @p1 .LBB2_18-.Ltmp7, $1  }
0xc0: {  	_ =	sdelay $0x3  }
0xc1: {  	s9 =	sadd.s32 $0xB, s22  }
0xc2: {  	_ =	swait.ge [sflag:s9], $0x2000  }
0xc3: {  	[sflag:s9] =	ssyncset.done $0x0  }
0xc4: {  	[sflag:s9] =	ssyncadd.s32 $0xFFFFE000  }
.LBB2_17:
0xc5: {  	s9 =	sshll.u32 s23, $0xA;
	s13 =	sshll.u32 s23, $0x6  }
0xc6: {  	s9 =	sadd.s32 s10, s9;
	s13 =	sand.u32 $0x40, s13  }
0xc7: {  	s14 =	sshll.u32 s22, $0xD;
	s9 =	sand.u32 $0xFFFF800, s9;
	s13 =	sadd.s32 s1, s13  }
0xc8: {  	s15 =	sadd.s32 $0x3, s22;
	s14 =	sor.u32 $0x4000, s14;
	s9 =	sadd.s32 s9, s13  }
0xc9: {  	[tilespmem:s14], [sflag:s15] =	stream.strided.gather [hbm4b:s9+s20], $0x2000, s21, s20, $0x38;
	[tilespmem:$0x14000] =	vst v63  }
.LBB2_18:
0xca: {  	v0 =	vmov s3;
	_ =	sdelay $0x3  }
0xcb: {  	s9 =	simm.s32 $0x10040  }
0xcc: {  	v1 =	vld.idx.msk [tilespmem:v0+s9+$0x30 ss:$0x1], $0xffff  }
0xcd: {  	v2 =	vld.idx.msk [tilespmem:v0+s9+$0xFFFFFFD0 ss:$0x1], $0xffff  }
0xce: {  	v3 =	vld.idx.msk [tilespmem:v0+s9+$0xFFFFFFE0 ss:$0x1], $0xffff  }
0xcf: {  	v4 =	vld.idx.msk [tilespmem:v0+s9+$0xFFFFFFF0 ss:$0x1], $0xffff  }
0xd0: {  	v5 =	vld.idx.msk [tilespmem:v0+s9+$0x0 ss:$0x1], $0xffff  }
0xd1: {  	v6 =	vld.idx.msk [tilespmem:v0+s9+$0x10 ss:$0x1], $0xffff  }
0xd2: {  	s14 =	sadd.s32 $0x0, s3;
	v7 =	vld.idx.msk [tilespmem:v0+s9+$0xFFFFFFC0 ss:$0x1], $0xffff  }
0xd3: {  	[tilespmem:s14+$0x4070] =	vst.add.f32.msk $0xffff, v1  }
0xd4: {  	v1 =	vld.idx.msk [tilespmem:v0+s9+$0x20 ss:$0x1], $0xffff  }
0xd5: {  	[tilespmem:s14+$0x4010] =	vst.add.f32.msk $0xffff, v2  }
0xd6: {  	[tilespmem:s14+$0x4020] =	vst.add.f32.msk $0xffff, v3  }
0xd7: {  	[tilespmem:s14+$0x4030] =	vst.add.f32.msk $0xffff, v4  }
0xd8: {  	[tilespmem:s14+$0x4040] =	vst.add.f32.msk $0xffff, v5  }
0xd9: {  	[tilespmem:s14+$0x4050] =	vst.add.f32.msk $0xffff, v6  }
0xda: {  	s15 =	simm.s32 $0x0;
	s13 =	simm.s32 $0x0;
	[tilespmem:s14+$0x4000] =	vst.add.f32.msk $0xffff, v7  }
0xdb: {  	s19 =	simm.s32 $0x10240;
	s26 =	simm.s32 $0x0;
	s9 =	sor.u32 $0x4000, s24;
	[tilespmem:s14+$0x4060] =	vst.add.f32.msk $0xffff, v1  }
.LBB2_19:
0xdc: {  	v1 =	vld.idx.msk [tilespmem:v0+s19+$0x30 ss:$0x1], $0xffff;
	s13 =	sadd.s32 $0x8, s13  }
0xdd: {  	v2 =	vld.idx.msk [tilespmem:v0+s19+$0xFFFFFFD0 ss:$0x1], $0xffff;
	p3 =	slt.u32 s13, $0x78  }
0xde: {  	v3 =	vld.idx.msk [tilespmem:v0+s19+$0xFFFFFFE0 ss:$0x1], $0xffff  }
0xdf: {  	v4 =	vld.idx.msk [tilespmem:v0+s19+$0xFFFFFFF0 ss:$0x1], $0xffff  }
0xe0: {  	s26 =	sadd.s32 $0x200, s26;
	v5 =	vld.idx.msk [tilespmem:v0+s19+$0x0 ss:$0x1], $0xffff  }
0xe1: {  	s28 =	sadd.s32 s3, s26;
	v6 =	vld.idx.msk [tilespmem:v0+s19+$0x10 ss:$0x1], $0xffff  }
0xe2: {  	[tilespmem:s28+$0x4070] =	vst.add.f32.msk $0xffff, v1  }
0xe3: {  	v1 =	vld.idx.msk [tilespmem:v0+s19+$0x20 ss:$0x1], $0xffff  }
0xe4: {  	v7 =	vld.idx.msk [tilespmem:v0+s19+$0xFFFFFFC0 ss:$0x1], $0xffff  }
0xe5: {  	[tilespmem:s28+$0x4010] =	vst.add.f32.msk $0xffff, v2  }
0xe6: {  	[tilespmem:s28+$0x4020] =	vst.add.f32.msk $0xffff, v3  }
.Ltmp8:
0xe7: {  	[tilespmem:s28+$0x4030] =	vst.add.f32.msk $0xffff, v4;
	(pc) =	sbr.rel @p3 .LBB2_19-.Ltmp8, $4  }
0xe8: {  	[tilespmem:s28+$0x4040] =	vst.add.f32.msk $0xffff, v5  }
0xe9: {  	[tilespmem:s28+$0x4050] =	vst.add.f32.msk $0xffff, v6  }
0xea: {  	[tilespmem:s28+$0x4000] =	vst.add.f32.msk $0xffff, v7  }
0xeb: {  	s19 =	sadd.s32 $0x200, s19;
	[tilespmem:s28+$0x4060] =	vst.add.f32.msk $0xffff, v1  }
0xec: {  	s13 =	sadd.s32 $0x10080, s3  }
0xed: {  	v1 =	vld [tilespmem:s13+$0x70]  }
0xee: {  	v2 =	vld [tilespmem:s13+$0x0]  }
0xef: {  	v3 =	vld [tilespmem:s13+$0x10]  }
0xf0: {  	v4 =	vld [tilespmem:s13+$0x20]  }
0xf1: {  	v5 =	vld [tilespmem:s13+$0x30]  }
0xf2: {  	v6 =	vld [tilespmem:s13+$0x40]  }
0xf3: {  	v7 =	vld [tilespmem:s13+$0x50]  }
0xf4: {  	[tilespmem:s14+$0x40F0] =	vst.add.f32.msk $0xffff, v1  }
0xf5: {  	v1 =	vld [tilespmem:s13+$0x60]  }
0xf6: {  	[tilespmem:s14+$0x4080] =	vst.add.f32.msk $0xffff, v2  }
0xf7: {  	[tilespmem:s14+$0x4090] =	vst.add.f32.msk $0xffff, v3  }
0xf8: {  	[tilespmem:s14+$0x40A0] =	vst.add.f32.msk $0xffff, v4  }
0xf9: {  	[tilespmem:s14+$0x40B0] =	vst.add.f32.msk $0xffff, v5  }
0xfa: {  	[tilespmem:s14+$0x40C0] =	vst.add.f32.msk $0xffff, v6  }
0xfb: {  	s19 =	simm.s32 $0x0;
	s26 =	simm.s32 $0x10280;
	[tilespmem:s14+$0x40D0] =	vst.add.f32.msk $0xffff, v7  }
.LBB2_21:
0xfc: {  	s28 =	sadd.s32 s3, s26;
	s19 =	sadd.s32 $0x8, s19;
	[tilespmem:s14+$0x40E0] =	vst.add.f32.msk $0xffff, v1  }
0xfd: {  	v1 =	vld [tilespmem:s28+$0x70];
	p3 =	slt.u32 s19, $0x78  }
0xfe: {  	v2 =	vld [tilespmem:s28+$0x0]  }
0xff: {  	v3 =	vld [tilespmem:s28+$0x10]  }
0x100: {  	s15 =	sadd.s32 $0x200, s15;
	v4 =	vld [tilespmem:s28+$0x20]  }
0x101: {  	s14 =	sadd.s32 s3, s15;
	v5 =	vld [tilespmem:s28+$0x30]  }
0x102: {  	s13 =	simm.s32 $0x0;
	[tilespmem:s14+$0x40F0] =	vst.add.f32.msk $0xffff, v1  }
0x103: {  	v6 =	vld [tilespmem:s28+$0x40]  }
0x104: {  	v7 =	vld [tilespmem:s28+$0x50]  }
0x105: {  	v1 =	vld [tilespmem:s28+$0x60]  }
0x106: {  	[tilespmem:s14+$0x4080] =	vst.add.f32.msk $0xffff, v2  }
.Ltmp9:
0x107: {  	[tilespmem:s14+$0x4090] =	vst.add.f32.msk $0xffff, v3;
	(pc) =	sbr.rel @p3 .LBB2_21-.Ltmp9, $4  }
0x108: {  	[tilespmem:s14+$0x40A0] =	vst.add.f32.msk $0xffff, v4  }
0x109: {  	[tilespmem:s14+$0x40B0] =	vst.add.f32.msk $0xffff, v5  }
0x10a: {  	[tilespmem:s14+$0x40C0] =	vst.add.f32.msk $0xffff, v6  }
0x10b: {  	s26 =	sadd.s32 $0x200, s26;
	[tilespmem:s14+$0x40D0] =	vst.add.f32.msk $0xffff, v7  }
0x10c: {  	[tilespmem:s14+$0x40E0] =	vst.add.f32.msk $0xffff, v1;
	s15 =	sadd.s32 $0x10100, s3  }
0x10d: {  	v1 =	vld [tilespmem:s15+$0x70]  }
0x10e: {  	v2 =	vld [tilespmem:s15+$0x0]  }
0x10f: {  	v3 =	vld [tilespmem:s15+$0x10]  }
0x110: {  	v4 =	vld [tilespmem:s15+$0x20]  }
0x111: {  	v5 =	vld [tilespmem:s15+$0x30]  }
0x112: {  	v6 =	vld [tilespmem:s15+$0x40]  }
0x113: {  	s14 =	sadd.s32 $0x0, s3;
	v7 =	vld [tilespmem:s15+$0x50]  }
0x114: {  	[tilespmem:s14+$0x4170] =	vst.add.f32.msk $0xffff, v1  }
0x115: {  	v1 =	vld [tilespmem:s15+$0x60]  }
0x116: {  	[tilespmem:s14+$0x4100] =	vst.add.f32.msk $0xffff, v2  }
0x117: {  	[tilespmem:s14+$0x4110] =	vst.add.f32.msk $0xffff, v3  }
0x118: {  	[tilespmem:s14+$0x4120] =	vst.add.f32.msk $0xffff, v4  }
0x119: {  	[tilespmem:s14+$0x4130] =	vst.add.f32.msk $0xffff, v5  }
0x11a: {  	[tilespmem:s14+$0x4140] =	vst.add.f32.msk $0xffff, v6  }
0x11b: {  	s19 =	simm.s32 $0x10300;
	s26 =	simm.s32 $0x0;
	s15 =	simm.s32 $0x0;
	[tilespmem:s14+$0x4150] =	vst.add.f32.msk $0xffff, v7  }
.LBB2_23:
0x11c: {  	s28 =	sadd.s32 s3, s19;
	s15 =	sadd.s32 $0x8, s15;
	[tilespmem:s14+$0x4160] =	vst.add.f32.msk $0xffff, v1  }
0x11d: {  	v1 =	vld [tilespmem:s28+$0x70];
	p3 =	slt.u32 s15, $0x78  }
0x11e: {  	v2 =	vld [tilespmem:s28+$0x0]  }
0x11f: {  	v3 =	vld [tilespmem:s28+$0x10]  }
0x120: {  	s26 =	sadd.s32 $0x200, s26;
	v4 =	vld [tilespmem:s28+$0x20]  }
0x121: {  	s14 =	sadd.s32 s3, s26;
	v5 =	vld [tilespmem:s28+$0x30]  }
0x122: {  	[tilespmem:s14+$0x4170] =	vst.add.f32.msk $0xffff, v1  }
0x123: {  	v6 =	vld [tilespmem:s28+$0x40]  }
0x124: {  	v7 =	vld [tilespmem:s28+$0x50]  }
0x125: {  	v1 =	vld [tilespmem:s28+$0x60]  }
0x126: {  	[tilespmem:s14+$0x4100] =	vst.add.f32.msk $0xffff, v2  }
.Ltmp10:
0x127: {  	[tilespmem:s14+$0x4110] =	vst.add.f32.msk $0xffff, v3;
	(pc) =	sbr.rel @p3 .LBB2_23-.Ltmp10, $4  }
0x128: {  	[tilespmem:s14+$0x4120] =	vst.add.f32.msk $0xffff, v4  }
0x129: {  	[tilespmem:s14+$0x4130] =	vst.add.f32.msk $0xffff, v5  }
0x12a: {  	[tilespmem:s14+$0x4140] =	vst.add.f32.msk $0xffff, v6  }
0x12b: {  	s19 =	sadd.s32 $0x200, s19;
	[tilespmem:s14+$0x4150] =	vst.add.f32.msk $0xffff, v7  }
0x12c: {  	[tilespmem:s14+$0x4160] =	vst.add.f32.msk $0xffff, v1;
	s15 =	sadd.s32 $0x10180, s3  }
0x12d: {  	v1 =	vld [tilespmem:s15+$0x70]  }
0x12e: {  	v2 =	vld [tilespmem:s15+$0x0]  }
0x12f: {  	v3 =	vld [tilespmem:s15+$0x10]  }
0x130: {  	v4 =	vld [tilespmem:s15+$0x20]  }
0x131: {  	v5 =	vld [tilespmem:s15+$0x30]  }
0x132: {  	v6 =	vld [tilespmem:s15+$0x40]  }
0x133: {  	s14 =	sadd.s32 $0x0, s3;
	v7 =	vld [tilespmem:s15+$0x50]  }
0x134: {  	[tilespmem:s14+$0x41F0] =	vst.add.f32.msk $0xffff, v1  }
0x135: {  	v1 =	vld [tilespmem:s15+$0x60]  }
0x136: {  	[tilespmem:s14+$0x4180] =	vst.add.f32.msk $0xffff, v2  }
0x137: {  	[tilespmem:s14+$0x4190] =	vst.add.f32.msk $0xffff, v3  }
0x138: {  	[tilespmem:s14+$0x41A0] =	vst.add.f32.msk $0xffff, v4  }
0x139: {  	[tilespmem:s14+$0x41B0] =	vst.add.f32.msk $0xffff, v5  }
0x13a: {  	[tilespmem:s14+$0x41C0] =	vst.add.f32.msk $0xffff, v6  }
0x13b: {  	s19 =	simm.s32 $0x10380;
	s15 =	simm.s32 $0x0;
	[tilespmem:s14+$0x41D0] =	vst.add.f32.msk $0xffff, v7  }
.LBB2_25:
0x13c: {  	s26 =	sadd.s32 s3, s19;
	s15 =	sadd.s32 $0x8, s15;
	[tilespmem:s14+$0x41E0] =	vst.add.f32.msk $0xffff, v1  }
0x13d: {  	v1 =	vld [tilespmem:s26+$0x70];
	p3 =	slt.u32 s15, $0x78  }
0x13e: {  	v2 =	vld [tilespmem:s26+$0x0]  }
0x13f: {  	v3 =	vld [tilespmem:s26+$0x10]  }
0x140: {  	s13 =	sadd.s32 $0x200, s13;
	v4 =	vld [tilespmem:s26+$0x20]  }
0x141: {  	s14 =	sadd.s32 s3, s13;
	v5 =	vld [tilespmem:s26+$0x30]  }
0x142: {  	[tilespmem:s14+$0x41F0] =	vst.add.f32.msk $0xffff, v1  }
0x143: {  	v6 =	vld [tilespmem:s26+$0x40]  }
0x144: {  	v7 =	vld [tilespmem:s26+$0x50]  }
0x145: {  	v1 =	vld [tilespmem:s26+$0x60]  }
0x146: {  	[tilespmem:s14+$0x4180] =	vst.add.f32.msk $0xffff, v2  }
.Ltmp11:
0x147: {  	[tilespmem:s14+$0x4190] =	vst.add.f32.msk $0xffff, v3;
	(pc) =	sbr.rel @p3 .LBB2_25-.Ltmp11, $4  }
0x148: {  	[tilespmem:s14+$0x41A0] =	vst.add.f32.msk $0xffff, v4  }
0x149: {  	[tilespmem:s14+$0x41B0] =	vst.add.f32.msk $0xffff, v5  }
0x14a: {  	[tilespmem:s14+$0x41C0] =	vst.add.f32.msk $0xffff, v6  }
0x14b: {  	s19 =	sadd.s32 $0x200, s19;
	[tilespmem:s14+$0x41D0] =	vst.add.f32.msk $0xffff, v7  }
0x14c: {  	s8 =	sadd.s32 $0x9, s8  }
.Ltmp12:
0x14d: {  	[tilespmem:s14+$0x41E0] =	vst.add.f32.msk $0xffff, v1;
	s13 =	sadd.s32 s25, s16;
	s28 =	sadd.s32 $0x5, s4;
	(pc) =	sbr.rel @p2 .LBB2_29-.Ltmp12, $4  }
0x14e: {  	[hbm4b:s13+s20] =	stream.strided.scatter [tilespmem:s9], [sflag:s8], $0x2000, s21, s20, $0x38;
	[tilespmem:$0x14000] =	vst v63  }
0x14f: {  	_ =	swait.ge [sflag:s28], $0x2000  }
0x150: {  	[sflag:s28] =	ssyncset.done $0x0  }
0x151: {  	[sflag:s28] =	ssyncadd.s32 $0xFFFFE000  }
.Ltmp13:
0x152: {  	(pc) =	sbr.rel @p1 .LBB2_30-.Ltmp13, $1  }
0x153: {  	_ =	sdelay $0x3  }
0x154: {  	s8 =	sadd.s32 $0xD, s22  }
0x155: {  	_ =	swait.ge [sflag:s8], $0x2000  }
0x156: {  	[sflag:s8] =	ssyncset.done $0x0  }
0x157: {  	[sflag:s8] =	ssyncadd.s32 $0xFFFFE000  }
.LBB2_29:
0x158: {  	s8 =	sshll.u32 s23, $0xA;
	s9 =	sshll.u32 s23, $0x6  }
0x159: {  	s8 =	sadd.s32 s11, s8;
	s9 =	sand.u32 $0x40, s9  }
0x15a: {  	s13 =	sshll.u32 s22, $0xD;
	s8 =	sand.u32 $0xFFFF800, s8;
	s9 =	sadd.s32 s1, s9  }
0x15b: {  	s14 =	sadd.s32 $0x5, s22;
	s13 =	sor.u32 $0x8000, s13;
	s8 =	sadd.s32 s8, s9  }
0x15c: {  	[tilespmem:s13], [sflag:s14] =	stream.strided.gather [hbm4b:s8+s20], $0x2000, s21, s20, $0x38;
	[tilespmem:$0x14000] =	vst v63  }
.LBB2_30:
0x15d: {  	_ =	sdelay $0x2  }
0x15e: {  	s8 =	simm.s32 $0x10040  }
0x15f: {  	v1 =	vld.idx.msk [tilespmem:v0+s8+$0x30 ss:$0x1], $0xffff  }
0x160: {  	v2 =	vld.idx.msk [tilespmem:v0+s8+$0xFFFFFFD0 ss:$0x1], $0xffff  }
0x161: {  	v3 =	vld.idx.msk [tilespmem:v0+s8+$0xFFFFFFE0 ss:$0x1], $0xffff  }
0x162: {  	v4 =	vld.idx.msk [tilespmem:v0+s8+$0xFFFFFFF0 ss:$0x1], $0xffff  }
0x163: {  	v5 =	vld.idx.msk [tilespmem:v0+s8+$0x0 ss:$0x1], $0xffff  }
0x164: {  	v6 =	vld.idx.msk [tilespmem:v0+s8+$0x10 ss:$0x1], $0xffff  }
0x165: {  	s13 =	sadd.s32 $0x0, s3;
	v7 =	vld.idx.msk [tilespmem:v0+s8+$0xFFFFFFC0 ss:$0x1], $0xffff  }
0x166: {  	[tilespmem:s13+$0x8070] =	vst.add.f32.msk $0xffff, v1  }
0x167: {  	v1 =	vld.idx.msk [tilespmem:v0+s8+$0x20 ss:$0x1], $0xffff  }
0x168: {  	[tilespmem:s13+$0x8010] =	vst.add.f32.msk $0xffff, v2  }
0x169: {  	[tilespmem:s13+$0x8020] =	vst.add.f32.msk $0xffff, v3  }
0x16a: {  	[tilespmem:s13+$0x8030] =	vst.add.f32.msk $0xffff, v4  }
0x16b: {  	[tilespmem:s13+$0x8040] =	vst.add.f32.msk $0xffff, v5  }
0x16c: {  	[tilespmem:s13+$0x8050] =	vst.add.f32.msk $0xffff, v6  }
0x16d: {  	s14 =	simm.s32 $0x0;
	s9 =	simm.s32 $0x0;
	s15 =	simm.s32 $0x10240;
	[tilespmem:s13+$0x8000] =	vst.add.f32.msk $0xffff, v7  }
0x16e: {  	s19 =	simm.s32 $0x0;
	s8 =	sor.u32 $0x4, s4;
	s4 =	sor.u32 $0x8000, s24;
	[tilespmem:s13+$0x8060] =	vst.add.f32.msk $0xffff, v1  }
.LBB2_31:
0x16f: {  	v1 =	vld.idx.msk [tilespmem:v0+s15+$0x30 ss:$0x1], $0xffff;
	s9 =	sadd.s32 $0x8, s9  }
0x170: {  	v2 =	vld.idx.msk [tilespmem:v0+s15+$0xFFFFFFD0 ss:$0x1], $0xffff;
	p3 =	slt.u32 s9, $0x78  }
0x171: {  	v3 =	vld.idx.msk [tilespmem:v0+s15+$0xFFFFFFE0 ss:$0x1], $0xffff  }
0x172: {  	v4 =	vld.idx.msk [tilespmem:v0+s15+$0xFFFFFFF0 ss:$0x1], $0xffff  }
0x173: {  	s19 =	sadd.s32 $0x200, s19;
	v5 =	vld.idx.msk [tilespmem:v0+s15+$0x0 ss:$0x1], $0xffff  }
0x174: {  	s26 =	sadd.s32 s3, s19;
	v6 =	vld.idx.msk [tilespmem:v0+s15+$0x10 ss:$0x1], $0xffff  }
0x175: {  	[tilespmem:s26+$0x8070] =	vst.add.f32.msk $0xffff, v1  }
0x176: {  	v1 =	vld.idx.msk [tilespmem:v0+s15+$0x20 ss:$0x1], $0xffff  }
0x177: {  	v7 =	vld.idx.msk [tilespmem:v0+s15+$0xFFFFFFC0 ss:$0x1], $0xffff  }
0x178: {  	[tilespmem:s26+$0x8010] =	vst.add.f32.msk $0xffff, v2  }
0x179: {  	[tilespmem:s26+$0x8020] =	vst.add.f32.msk $0xffff, v3  }
.Ltmp14:
0x17a: {  	[tilespmem:s26+$0x8030] =	vst.add.f32.msk $0xffff, v4;
	(pc) =	sbr.rel @p3 .LBB2_31-.Ltmp14, $4  }
0x17b: {  	[tilespmem:s26+$0x8040] =	vst.add.f32.msk $0xffff, v5  }
0x17c: {  	[tilespmem:s26+$0x8050] =	vst.add.f32.msk $0xffff, v6  }
0x17d: {  	[tilespmem:s26+$0x8000] =	vst.add.f32.msk $0xffff, v7  }
0x17e: {  	s15 =	sadd.s32 $0x200, s15;
	[tilespmem:s26+$0x8060] =	vst.add.f32.msk $0xffff, v1  }
0x17f: {  	s9 =	sadd.s32 $0x10080, s3  }
0x180: {  	v1 =	vld [tilespmem:s9+$0x70]  }
0x181: {  	v2 =	vld [tilespmem:s9+$0x0]  }
0x182: {  	v3 =	vld [tilespmem:s9+$0x10]  }
0x183: {  	v4 =	vld [tilespmem:s9+$0x20]  }
0x184: {  	v5 =	vld [tilespmem:s9+$0x30]  }
0x185: {  	v6 =	vld [tilespmem:s9+$0x40]  }
0x186: {  	v7 =	vld [tilespmem:s9+$0x50]  }
0x187: {  	[tilespmem:s13+$0x80F0] =	vst.add.f32.msk $0xffff, v1  }
0x188: {  	v1 =	vld [tilespmem:s9+$0x60]  }
0x189: {  	[tilespmem:s13+$0x8080] =	vst.add.f32.msk $0xffff, v2  }
0x18a: {  	[tilespmem:s13+$0x8090] =	vst.add.f32.msk $0xffff, v3  }
0x18b: {  	[tilespmem:s13+$0x80A0] =	vst.add.f32.msk $0xffff, v4  }
0x18c: {  	[tilespmem:s13+$0x80B0] =	vst.add.f32.msk $0xffff, v5  }
0x18d: {  	[tilespmem:s13+$0x80C0] =	vst.add.f32.msk $0xffff, v6  }
0x18e: {  	s15 =	simm.s32 $0x0;
	s19 =	simm.s32 $0x10280;
	[tilespmem:s13+$0x80D0] =	vst.add.f32.msk $0xffff, v7  }
.LBB2_33:
0x18f: {  	s26 =	sadd.s32 s3, s19;
	s15 =	sadd.s32 $0x8, s15;
	[tilespmem:s13+$0x80E0] =	vst.add.f32.msk $0xffff, v1  }
0x190: {  	v1 =	vld [tilespmem:s26+$0x70];
	p3 =	slt.u32 s15, $0x78  }
0x191: {  	v2 =	vld [tilespmem:s26+$0x0]  }
0x192: {  	v3 =	vld [tilespmem:s26+$0x10]  }
0x193: {  	s14 =	sadd.s32 $0x200, s14;
	v4 =	vld [tilespmem:s26+$0x20]  }
0x194: {  	s13 =	sadd.s32 s3, s14;
	v5 =	vld [tilespmem:s26+$0x30]  }
0x195: {  	s9 =	simm.s32 $0x0;
	[tilespmem:s13+$0x80F0] =	vst.add.f32.msk $0xffff, v1  }
0x196: {  	v6 =	vld [tilespmem:s26+$0x40]  }
0x197: {  	v7 =	vld [tilespmem:s26+$0x50]  }
0x198: {  	v1 =	vld [tilespmem:s26+$0x60]  }
0x199: {  	[tilespmem:s13+$0x8080] =	vst.add.f32.msk $0xffff, v2  }
.Ltmp15:
0x19a: {  	[tilespmem:s13+$0x8090] =	vst.add.f32.msk $0xffff, v3;
	(pc) =	sbr.rel @p3 .LBB2_33-.Ltmp15, $4  }
0x19b: {  	[tilespmem:s13+$0x80A0] =	vst.add.f32.msk $0xffff, v4  }
0x19c: {  	[tilespmem:s13+$0x80B0] =	vst.add.f32.msk $0xffff, v5  }
0x19d: {  	[tilespmem:s13+$0x80C0] =	vst.add.f32.msk $0xffff, v6  }
0x19e: {  	s19 =	sadd.s32 $0x200, s19;
	[tilespmem:s13+$0x80D0] =	vst.add.f32.msk $0xffff, v7  }
0x19f: {  	[tilespmem:s13+$0x80E0] =	vst.add.f32.msk $0xffff, v1;
	s14 =	sadd.s32 $0x10100, s3  }
0x1a0: {  	v1 =	vld [tilespmem:s14+$0x70]  }
0x1a1: {  	v2 =	vld [tilespmem:s14+$0x0]  }
0x1a2: {  	v3 =	vld [tilespmem:s14+$0x10]  }
0x1a3: {  	v4 =	vld [tilespmem:s14+$0x20]  }
0x1a4: {  	v5 =	vld [tilespmem:s14+$0x30]  }
0x1a5: {  	v6 =	vld [tilespmem:s14+$0x40]  }
0x1a6: {  	s13 =	sadd.s32 $0x0, s3;
	v7 =	vld [tilespmem:s14+$0x50]  }
0x1a7: {  	[tilespmem:s13+$0x8170] =	vst.add.f32.msk $0xffff, v1  }
0x1a8: {  	v1 =	vld [tilespmem:s14+$0x60]  }
0x1a9: {  	[tilespmem:s13+$0x8100] =	vst.add.f32.msk $0xffff, v2  }
0x1aa: {  	[tilespmem:s13+$0x8110] =	vst.add.f32.msk $0xffff, v3  }
0x1ab: {  	[tilespmem:s13+$0x8120] =	vst.add.f32.msk $0xffff, v4  }
0x1ac: {  	[tilespmem:s13+$0x8130] =	vst.add.f32.msk $0xffff, v5  }
0x1ad: {  	[tilespmem:s13+$0x8140] =	vst.add.f32.msk $0xffff, v6  }
0x1ae: {  	s15 =	simm.s32 $0x10300;
	s19 =	simm.s32 $0x0;
	s14 =	simm.s32 $0x0;
	[tilespmem:s13+$0x8150] =	vst.add.f32.msk $0xffff, v7  }
.LBB2_35:
0x1af: {  	s26 =	sadd.s32 s3, s15;
	s14 =	sadd.s32 $0x8, s14;
	[tilespmem:s13+$0x8160] =	vst.add.f32.msk $0xffff, v1  }
0x1b0: {  	v1 =	vld [tilespmem:s26+$0x70];
	p3 =	slt.u32 s14, $0x78  }
0x1b1: {  	v2 =	vld [tilespmem:s26+$0x0]  }
0x1b2: {  	v3 =	vld [tilespmem:s26+$0x10]  }
0x1b3: {  	s19 =	sadd.s32 $0x200, s19;
	v4 =	vld [tilespmem:s26+$0x20]  }
0x1b4: {  	s13 =	sadd.s32 s3, s19;
	v5 =	vld [tilespmem:s26+$0x30]  }
0x1b5: {  	[tilespmem:s13+$0x8170] =	vst.add.f32.msk $0xffff, v1  }
0x1b6: {  	v6 =	vld [tilespmem:s26+$0x40]  }
0x1b7: {  	v7 =	vld [tilespmem:s26+$0x50]  }
0x1b8: {  	v1 =	vld [tilespmem:s26+$0x60]  }
0x1b9: {  	[tilespmem:s13+$0x8100] =	vst.add.f32.msk $0xffff, v2  }
.Ltmp16:
0x1ba: {  	[tilespmem:s13+$0x8110] =	vst.add.f32.msk $0xffff, v3;
	(pc) =	sbr.rel @p3 .LBB2_35-.Ltmp16, $4  }
0x1bb: {  	[tilespmem:s13+$0x8120] =	vst.add.f32.msk $0xffff, v4  }
0x1bc: {  	[tilespmem:s13+$0x8130] =	vst.add.f32.msk $0xffff, v5  }
0x1bd: {  	[tilespmem:s13+$0x8140] =	vst.add.f32.msk $0xffff, v6  }
0x1be: {  	s15 =	sadd.s32 $0x200, s15;
	[tilespmem:s13+$0x8150] =	vst.add.f32.msk $0xffff, v7  }
0x1bf: {  	[tilespmem:s13+$0x8160] =	vst.add.f32.msk $0xffff, v1;
	s14 =	sadd.s32 $0x10180, s3  }
0x1c0: {  	v1 =	vld [tilespmem:s14+$0x70]  }
0x1c1: {  	v2 =	vld [tilespmem:s14+$0x0]  }
0x1c2: {  	v3 =	vld [tilespmem:s14+$0x10]  }
0x1c3: {  	v4 =	vld [tilespmem:s14+$0x20]  }
0x1c4: {  	v5 =	vld [tilespmem:s14+$0x30]  }
0x1c5: {  	v6 =	vld [tilespmem:s14+$0x40]  }
0x1c6: {  	s13 =	sadd.s32 $0x0, s3;
	v7 =	vld [tilespmem:s14+$0x50]  }
0x1c7: {  	[tilespmem:s13+$0x81F0] =	vst.add.f32.msk $0xffff, v1  }
0x1c8: {  	v1 =	vld [tilespmem:s14+$0x60]  }
0x1c9: {  	[tilespmem:s13+$0x8180] =	vst.add.f32.msk $0xffff, v2  }
0x1ca: {  	[tilespmem:s13+$0x8190] =	vst.add.f32.msk $0xffff, v3  }
0x1cb: {  	[tilespmem:s13+$0x81A0] =	vst.add.f32.msk $0xffff, v4  }
0x1cc: {  	[tilespmem:s13+$0x81B0] =	vst.add.f32.msk $0xffff, v5  }
0x1cd: {  	[tilespmem:s13+$0x81C0] =	vst.add.f32.msk $0xffff, v6  }
0x1ce: {  	s15 =	simm.s32 $0x10380;
	s14 =	simm.s32 $0x0;
	[tilespmem:s13+$0x81D0] =	vst.add.f32.msk $0xffff, v7  }
.LBB2_37:
0x1cf: {  	s19 =	sadd.s32 s3, s15;
	s14 =	sadd.s32 $0x8, s14;
	[tilespmem:s13+$0x81E0] =	vst.add.f32.msk $0xffff, v1  }
0x1d0: {  	v1 =	vld [tilespmem:s19+$0x70];
	p3 =	slt.u32 s14, $0x78  }
0x1d1: {  	v2 =	vld [tilespmem:s19+$0x0]  }
0x1d2: {  	v3 =	vld [tilespmem:s19+$0x10]  }
0x1d3: {  	s9 =	sadd.s32 $0x200, s9;
	v4 =	vld [tilespmem:s19+$0x20]  }
0x1d4: {  	s13 =	sadd.s32 s3, s9;
	v5 =	vld [tilespmem:s19+$0x30]  }
0x1d5: {  	[tilespmem:s13+$0x81F0] =	vst.add.f32.msk $0xffff, v1  }
0x1d6: {  	v6 =	vld [tilespmem:s19+$0x40]  }
0x1d7: {  	v7 =	vld [tilespmem:s19+$0x50]  }
0x1d8: {  	v1 =	vld [tilespmem:s19+$0x60]  }
0x1d9: {  	[tilespmem:s13+$0x8180] =	vst.add.f32.msk $0xffff, v2  }
.Ltmp17:
0x1da: {  	[tilespmem:s13+$0x8190] =	vst.add.f32.msk $0xffff, v3;
	(pc) =	sbr.rel @p3 .LBB2_37-.Ltmp17, $4  }
0x1db: {  	[tilespmem:s13+$0x81A0] =	vst.add.f32.msk $0xffff, v4  }
0x1dc: {  	[tilespmem:s13+$0x81B0] =	vst.add.f32.msk $0xffff, v5  }
0x1dd: {  	[tilespmem:s13+$0x81C0] =	vst.add.f32.msk $0xffff, v6  }
0x1de: {  	s15 =	sadd.s32 $0x200, s15;
	[tilespmem:s13+$0x81D0] =	vst.add.f32.msk $0xffff, v7  }
0x1df: {  	[tilespmem:s13+$0x81E0] =	vst.add.f32.msk $0xffff, v1;
	s8 =	sadd.s32 $0x9, s8;
	s9 =	sadd.s32 s25, s17  }
0x1e0: {  	[hbm4b:s9+s20] =	stream.strided.scatter [tilespmem:s4], [sflag:s8], $0x2000, s21, s20, $0x38;
	[tilespmem:$0x14000] =	vst v63  }
.Ltmp18:
0x1e1: {  	s0 =	sor.u32 $0x6, s0;
	(pc) =	sbr.rel @p2 .LBB2_41-.Ltmp18, $4  }
0x1e2: {  	s28 =	sadd.s32 $0x1, s0  }
0x1e3: {  	_ =	swait.ge [sflag:s28], $0x2000  }
0x1e4: {  	[sflag:s28] =	ssyncset.done $0x0  }
0x1e5: {  	[sflag:s28] =	ssyncadd.s32 $0xFFFFE000  }
.Ltmp19:
0x1e6: {  	(pc) =	sbr.rel @p1 .LBB2_42-.Ltmp19, $1  }
0x1e7: {  	_ =	sdelay $0x3  }
0x1e8: {  	s4 =	sadd.s32 $0xF, s22  }
0x1e9: {  	_ =	swait.ge [sflag:s4], $0x2000  }
0x1ea: {  	[sflag:s4] =	ssyncset.done $0x0  }
0x1eb: {  	[sflag:s4] =	ssyncadd.s32 $0xFFFFE000  }
.LBB2_41:
0x1ec: {  	s4 =	sshll.u32 s23, $0xA;
	s8 =	sshll.u32 s23, $0x6  }
0x1ed: {  	s4 =	sadd.s32 s12, s4;
	s8 =	sand.u32 $0x40, s8  }
0x1ee: {  	s9 =	sshll.u32 s22, $0xD;
	s4 =	sand.u32 $0xFFFF800, s4;
	s8 =	sadd.s32 s1, s8  }
0x1ef: {  	s13 =	sadd.s32 $0x7, s22;
	s9 =	sor.u32 $0xC000, s9;
	s4 =	sadd.s32 s4, s8  }
0x1f0: {  	[tilespmem:s9], [sflag:s13] =	stream.strided.gather [hbm4b:s4+s20], $0x2000, s21, s20, $0x38;
	[tilespmem:$0x14000] =	vst v63  }
.LBB2_42:
0x1f1: {  	_ =	sdelay $0x2  }
0x1f2: {  	s4 =	simm.s32 $0x10040  }
0x1f3: {  	v1 =	vld.idx.msk [tilespmem:v0+s4+$0x30 ss:$0x1], $0xffff  }
0x1f4: {  	v2 =	vld.idx.msk [tilespmem:v0+s4+$0xFFFFFFD0 ss:$0x1], $0xffff  }
0x1f5: {  	v3 =	vld.idx.msk [tilespmem:v0+s4+$0xFFFFFFE0 ss:$0x1], $0xffff  }
0x1f6: {  	v4 =	vld.idx.msk [tilespmem:v0+s4+$0xFFFFFFF0 ss:$0x1], $0xffff  }
0x1f7: {  	v5 =	vld.idx.msk [tilespmem:v0+s4+$0x0 ss:$0x1], $0xffff  }
0x1f8: {  	v6 =	vld.idx.msk [tilespmem:v0+s4+$0x10 ss:$0x1], $0xffff  }
0x1f9: {  	s9 =	sadd.s32 $0x0, s3;
	v7 =	vld.idx.msk [tilespmem:v0+s4+$0xFFFFFFC0 ss:$0x1], $0xffff  }
0x1fa: {  	[tilespmem:s9+$0xC070] =	vst.add.f32.msk $0xffff, v1  }
0x1fb: {  	v1 =	vld.idx.msk [tilespmem:v0+s4+$0x20 ss:$0x1], $0xffff  }
0x1fc: {  	[tilespmem:s9+$0xC010] =	vst.add.f32.msk $0xffff, v2  }
0x1fd: {  	[tilespmem:s9+$0xC020] =	vst.add.f32.msk $0xffff, v3  }
0x1fe: {  	[tilespmem:s9+$0xC030] =	vst.add.f32.msk $0xffff, v4  }
0x1ff: {  	[tilespmem:s9+$0xC040] =	vst.add.f32.msk $0xffff, v5  }
0x200: {  	[tilespmem:s9+$0xC050] =	vst.add.f32.msk $0xffff, v6  }
0x201: {  	s13 =	simm.s32 $0x0;
	s8 =	simm.s32 $0x0;
	[tilespmem:s9+$0xC000] =	vst.add.f32.msk $0xffff, v7  }
0x202: {  	s14 =	simm.s32 $0x10240;
	s15 =	simm.s32 $0x0;
	s4 =	sor.u32 $0xC000, s24;
	[tilespmem:s9+$0xC060] =	vst.add.f32.msk $0xffff, v1  }
.LBB2_43:
0x203: {  	v1 =	vld.idx.msk [tilespmem:v0+s14+$0x30 ss:$0x1], $0xffff;
	s8 =	sadd.s32 $0x8, s8  }
0x204: {  	v2 =	vld.idx.msk [tilespmem:v0+s14+$0xFFFFFFD0 ss:$0x1], $0xffff;
	p1 =	slt.u32 s8, $0x78  }
0x205: {  	v3 =	vld.idx.msk [tilespmem:v0+s14+$0xFFFFFFE0 ss:$0x1], $0xffff  }
0x206: {  	v4 =	vld.idx.msk [tilespmem:v0+s14+$0xFFFFFFF0 ss:$0x1], $0xffff  }
0x207: {  	s15 =	sadd.s32 $0x200, s15;
	v5 =	vld.idx.msk [tilespmem:v0+s14+$0x0 ss:$0x1], $0xffff  }
0x208: {  	s19 =	sadd.s32 s3, s15;
	v6 =	vld.idx.msk [tilespmem:v0+s14+$0x10 ss:$0x1], $0xffff  }
0x209: {  	[tilespmem:s19+$0xC070] =	vst.add.f32.msk $0xffff, v1  }
0x20a: {  	v1 =	vld.idx.msk [tilespmem:v0+s14+$0x20 ss:$0x1], $0xffff  }
0x20b: {  	v7 =	vld.idx.msk [tilespmem:v0+s14+$0xFFFFFFC0 ss:$0x1], $0xffff  }
0x20c: {  	[tilespmem:s19+$0xC010] =	vst.add.f32.msk $0xffff, v2  }
0x20d: {  	[tilespmem:s19+$0xC020] =	vst.add.f32.msk $0xffff, v3  }
.Ltmp20:
0x20e: {  	[tilespmem:s19+$0xC030] =	vst.add.f32.msk $0xffff, v4;
	(pc) =	sbr.rel @p1 .LBB2_43-.Ltmp20, $4  }
0x20f: {  	[tilespmem:s19+$0xC040] =	vst.add.f32.msk $0xffff, v5  }
0x210: {  	[tilespmem:s19+$0xC050] =	vst.add.f32.msk $0xffff, v6  }
0x211: {  	[tilespmem:s19+$0xC000] =	vst.add.f32.msk $0xffff, v7  }
0x212: {  	s14 =	sadd.s32 $0x200, s14;
	[tilespmem:s19+$0xC060] =	vst.add.f32.msk $0xffff, v1  }
0x213: {  	s8 =	sadd.s32 $0x10080, s3  }
0x214: {  	v0 =	vld [tilespmem:s8+$0x70]  }
0x215: {  	v1 =	vld [tilespmem:s8+$0x0]  }
0x216: {  	v2 =	vld [tilespmem:s8+$0x10]  }
0x217: {  	v3 =	vld [tilespmem:s8+$0x20]  }
0x218: {  	v4 =	vld [tilespmem:s8+$0x30]  }
0x219: {  	v5 =	vld [tilespmem:s8+$0x40]  }
0x21a: {  	v6 =	vld [tilespmem:s8+$0x50]  }
0x21b: {  	[tilespmem:s9+$0xC0F0] =	vst.add.f32.msk $0xffff, v0  }
0x21c: {  	v0 =	vld [tilespmem:s8+$0x60]  }
0x21d: {  	[tilespmem:s9+$0xC080] =	vst.add.f32.msk $0xffff, v1  }
0x21e: {  	[tilespmem:s9+$0xC090] =	vst.add.f32.msk $0xffff, v2  }
0x21f: {  	[tilespmem:s9+$0xC0A0] =	vst.add.f32.msk $0xffff, v3  }
0x220: {  	[tilespmem:s9+$0xC0B0] =	vst.add.f32.msk $0xffff, v4  }
0x221: {  	[tilespmem:s9+$0xC0C0] =	vst.add.f32.msk $0xffff, v5  }
0x222: {  	s14 =	simm.s32 $0x0;
	s15 =	simm.s32 $0x10280;
	[tilespmem:s9+$0xC0D0] =	vst.add.f32.msk $0xffff, v6  }
.LBB2_45:
0x223: {  	s19 =	sadd.s32 s3, s15;
	s14 =	sadd.s32 $0x8, s14;
	[tilespmem:s9+$0xC0E0] =	vst.add.f32.msk $0xffff, v0  }
0x224: {  	v0 =	vld [tilespmem:s19+$0x70];
	p1 =	slt.u32 s14, $0x78  }
0x225: {  	v1 =	vld [tilespmem:s19+$0x0]  }
0x226: {  	v2 =	vld [tilespmem:s19+$0x10]  }
0x227: {  	s13 =	sadd.s32 $0x200, s13;
	v3 =	vld [tilespmem:s19+$0x20]  }
0x228: {  	s9 =	sadd.s32 s3, s13;
	v4 =	vld [tilespmem:s19+$0x30]  }
0x229: {  	s8 =	simm.s32 $0x0;
	[tilespmem:s9+$0xC0F0] =	vst.add.f32.msk $0xffff, v0  }
0x22a: {  	v5 =	vld [tilespmem:s19+$0x40]  }
0x22b: {  	v6 =	vld [tilespmem:s19+$0x50]  }
0x22c: {  	v0 =	vld [tilespmem:s19+$0x60]  }
0x22d: {  	[tilespmem:s9+$0xC080] =	vst.add.f32.msk $0xffff, v1  }
.Ltmp21:
0x22e: {  	[tilespmem:s9+$0xC090] =	vst.add.f32.msk $0xffff, v2;
	(pc) =	sbr.rel @p1 .LBB2_45-.Ltmp21, $4  }
0x22f: {  	[tilespmem:s9+$0xC0A0] =	vst.add.f32.msk $0xffff, v3  }
0x230: {  	[tilespmem:s9+$0xC0B0] =	vst.add.f32.msk $0xffff, v4  }
0x231: {  	[tilespmem:s9+$0xC0C0] =	vst.add.f32.msk $0xffff, v5  }
0x232: {  	s15 =	sadd.s32 $0x200, s15;
	[tilespmem:s9+$0xC0D0] =	vst.add.f32.msk $0xffff, v6  }
0x233: {  	[tilespmem:s9+$0xC0E0] =	vst.add.f32.msk $0xffff, v0;
	s13 =	sadd.s32 $0x10100, s3  }
0x234: {  	v0 =	vld [tilespmem:s13+$0x70]  }
0x235: {  	v1 =	vld [tilespmem:s13+$0x0]  }
0x236: {  	v2 =	vld [tilespmem:s13+$0x10]  }
0x237: {  	v3 =	vld [tilespmem:s13+$0x20]  }
0x238: {  	v4 =	vld [tilespmem:s13+$0x30]  }
0x239: {  	v5 =	vld [tilespmem:s13+$0x40]  }
0x23a: {  	s9 =	sadd.s32 $0x0, s3;
	v6 =	vld [tilespmem:s13+$0x50]  }
0x23b: {  	[tilespmem:s9+$0xC170] =	vst.add.f32.msk $0xffff, v0  }
0x23c: {  	v0 =	vld [tilespmem:s13+$0x60]  }
0x23d: {  	[tilespmem:s9+$0xC100] =	vst.add.f32.msk $0xffff, v1  }
0x23e: {  	[tilespmem:s9+$0xC110] =	vst.add.f32.msk $0xffff, v2  }
0x23f: {  	[tilespmem:s9+$0xC120] =	vst.add.f32.msk $0xffff, v3  }
0x240: {  	[tilespmem:s9+$0xC130] =	vst.add.f32.msk $0xffff, v4  }
0x241: {  	[tilespmem:s9+$0xC140] =	vst.add.f32.msk $0xffff, v5  }
0x242: {  	s14 =	simm.s32 $0x10300;
	s15 =	simm.s32 $0x0;
	s13 =	simm.s32 $0x0;
	[tilespmem:s9+$0xC150] =	vst.add.f32.msk $0xffff, v6  }
.LBB2_47:
0x243: {  	s19 =	sadd.s32 s3, s14;
	s13 =	sadd.s32 $0x8, s13;
	[tilespmem:s9+$0xC160] =	vst.add.f32.msk $0xffff, v0  }
0x244: {  	v0 =	vld [tilespmem:s19+$0x70];
	p1 =	slt.u32 s13, $0x78  }
0x245: {  	v1 =	vld [tilespmem:s19+$0x0]  }
0x246: {  	v2 =	vld [tilespmem:s19+$0x10]  }
0x247: {  	s15 =	sadd.s32 $0x200, s15;
	v3 =	vld [tilespmem:s19+$0x20]  }
0x248: {  	s9 =	sadd.s32 s3, s15;
	v4 =	vld [tilespmem:s19+$0x30]  }
0x249: {  	[tilespmem:s9+$0xC170] =	vst.add.f32.msk $0xffff, v0  }
0x24a: {  	v5 =	vld [tilespmem:s19+$0x40]  }
0x24b: {  	v6 =	vld [tilespmem:s19+$0x50]  }
0x24c: {  	v0 =	vld [tilespmem:s19+$0x60]  }
0x24d: {  	[tilespmem:s9+$0xC100] =	vst.add.f32.msk $0xffff, v1  }
.Ltmp22:
0x24e: {  	[tilespmem:s9+$0xC110] =	vst.add.f32.msk $0xffff, v2;
	(pc) =	sbr.rel @p1 .LBB2_47-.Ltmp22, $4  }
0x24f: {  	[tilespmem:s9+$0xC120] =	vst.add.f32.msk $0xffff, v3  }
0x250: {  	[tilespmem:s9+$0xC130] =	vst.add.f32.msk $0xffff, v4  }
0x251: {  	[tilespmem:s9+$0xC140] =	vst.add.f32.msk $0xffff, v5  }
0x252: {  	s14 =	sadd.s32 $0x200, s14;
	[tilespmem:s9+$0xC150] =	vst.add.f32.msk $0xffff, v6  }
0x253: {  	[tilespmem:s9+$0xC160] =	vst.add.f32.msk $0xffff, v0;
	s13 =	sadd.s32 $0x10180, s3  }
0x254: {  	v0 =	vld [tilespmem:s13+$0x70]  }
0x255: {  	v1 =	vld [tilespmem:s13+$0x0]  }
0x256: {  	v2 =	vld [tilespmem:s13+$0x10]  }
0x257: {  	v3 =	vld [tilespmem:s13+$0x20]  }
0x258: {  	v4 =	vld [tilespmem:s13+$0x30]  }
0x259: {  	v5 =	vld [tilespmem:s13+$0x40]  }
0x25a: {  	s9 =	sadd.s32 $0x0, s3;
	v6 =	vld [tilespmem:s13+$0x50]  }
0x25b: {  	[tilespmem:s9+$0xC1F0] =	vst.add.f32.msk $0xffff, v0  }
0x25c: {  	v0 =	vld [tilespmem:s13+$0x60]  }
0x25d: {  	[tilespmem:s9+$0xC180] =	vst.add.f32.msk $0xffff, v1  }
0x25e: {  	[tilespmem:s9+$0xC190] =	vst.add.f32.msk $0xffff, v2  }
0x25f: {  	[tilespmem:s9+$0xC1A0] =	vst.add.f32.msk $0xffff, v3  }
0x260: {  	[tilespmem:s9+$0xC1B0] =	vst.add.f32.msk $0xffff, v4  }
0x261: {  	[tilespmem:s9+$0xC1C0] =	vst.add.f32.msk $0xffff, v5  }
0x262: {  	s14 =	simm.s32 $0x10380;
	s13 =	simm.s32 $0x0;
	[tilespmem:s9+$0xC1D0] =	vst.add.f32.msk $0xffff, v6  }
.LBB2_49:
0x263: {  	s15 =	sadd.s32 s3, s14;
	s13 =	sadd.s32 $0x8, s13;
	[tilespmem:s9+$0xC1E0] =	vst.add.f32.msk $0xffff, v0  }
0x264: {  	v0 =	vld [tilespmem:s15+$0x70];
	p1 =	slt.u32 s13, $0x78  }
0x265: {  	v1 =	vld [tilespmem:s15+$0x0]  }
0x266: {  	v2 =	vld [tilespmem:s15+$0x10]  }
0x267: {  	s8 =	sadd.s32 $0x200, s8;
	v3 =	vld [tilespmem:s15+$0x20]  }
0x268: {  	s9 =	sadd.s32 s3, s8;
	v4 =	vld [tilespmem:s15+$0x30]  }
0x269: {  	[tilespmem:s9+$0xC1F0] =	vst.add.f32.msk $0xffff, v0  }
0x26a: {  	v5 =	vld [tilespmem:s15+$0x40]  }
0x26b: {  	v6 =	vld [tilespmem:s15+$0x50]  }
0x26c: {  	v0 =	vld [tilespmem:s15+$0x60]  }
0x26d: {  	[tilespmem:s9+$0xC180] =	vst.add.f32.msk $0xffff, v1  }
.Ltmp23:
0x26e: {  	[tilespmem:s9+$0xC190] =	vst.add.f32.msk $0xffff, v2;
	(pc) =	sbr.rel @p1 .LBB2_49-.Ltmp23, $4  }
0x26f: {  	[tilespmem:s9+$0xC1A0] =	vst.add.f32.msk $0xffff, v3  }
0x270: {  	[tilespmem:s9+$0xC1B0] =	vst.add.f32.msk $0xffff, v4  }
0x271: {  	[tilespmem:s9+$0xC1C0] =	vst.add.f32.msk $0xffff, v5  }
0x272: {  	s14 =	sadd.s32 $0x200, s14;
	[tilespmem:s9+$0xC1D0] =	vst.add.f32.msk $0xffff, v6  }
0x273: {  	p1 =	sne.s32 s23, $0x4  }
.Ltmp24:
0x274: {  	_ = 	snop;
	(pc) =	sbr.rel @p1 .LBB2_2-.Ltmp24, $4  }
0x275: {  	_ = 	snop  }
0x276: {  	[tilespmem:s9+$0xC1E0] =	vst.add.f32.msk $0xffff, v0;
	s0 =	sadd.s32 $0x9, s0;
	s3 =	sadd.s32 s25, s18  }
0x277: {  	[hbm4b:s3+s20] =	stream.strided.scatter [tilespmem:s4], [sflag:s0], $0x2000, s21, s20, $0x38;
	[tilespmem:$0x14000] =	vst v63  }
0x278: {  	p0 =	por !p0, !p0;
	s0 =	smov.u32 s23  }
0x279: {  	s0 =	simm.s32 $0xA  }
0x27a: {  	_ =	swait.ge [sflag:s0], $0x2000  }
0x27b: {  	[sflag:s0] =	ssyncset.done $0x0  }
0x27c: {  	s26 =	simm.s32 $0xC;
	[sflag:s0] =	ssyncadd.s32 $0xFFFFE000  }
0x27d: {  	_ =	swait.ge [sflag:s26], $0x2000  }
0x27e: {  	[sflag:s26] =	ssyncset.done $0x0  }
0x27f: {  	[sflag:s26] =	ssyncadd.s32 $0xFFFFE000  }
0x280: {  	_ =	swait.ge [sflag:s29], $0x2000  }
0x281: {  	[sflag:s29] =	ssyncset.done $0x0  }
0x282: {  	[sflag:s29] =	ssyncadd.s32 $0xFFFFE000  }
0x283: {  	_ =	swait.ge [sflag:s30], $0x2000  }
0x284: {  	s31 =	sadd.s32 $0x1, s31;
	s28 =	rddreg [dreg:$0x9]  }
0x285: {  	p0 =	sne.s32 s31, s28  }
.Ltmp25:
0x286: {  	_ = 	snop;
	(pc) =	sbr.rel @p0 .LBB2_1-.Ltmp25, $3  }
0x287: {  	_ =	sdelay $0x1  }
0x288: {  	[sflag:s30] =	ssyncset.done $0x0  }
0x289: {  	[sflag:s30] =	ssyncadd.s32 $0xFFFFE000  }
0x28a: {  	_ =	sfence.sel $0x180000  }
0x28b: {  	[bflag:$0x0] =	sbarrier.arrive $0xFFFF  }
0x28c: {  	_ =	strace $0x90000047  }
0x28d: {  	s0 =	stileid.u32;
	[bflag:$0x2] =	sbarrier.arrive $0xFFFF  }
0x28e: {  	p0 =	sne.s32 s0, $0x0;
	s0 =	rddreg [dreg:$0x3]  }
0x28f: {  	s0 =	sadd.s32 @!p0 $0x100000, s0  }
0x290: {  	[sflag:s0] =	ssyncadd.tile.s32 @!p0 $0x1;
	_ =	shalt  }
.Lfunc_end2:
_tile_overlayer_lowered:
.L_overlay_start_2:
0x291: {  	(tag) =	ssettag $0x2  }
0x292: {  	s0 =	rddreg [dreg:$0x0];
	s2 =	stileid.u32  }
0x293: {  	s1 =	rddreg [dreg:$0x1];
	p0 =	sne.s32 s2, $0x0  }
0x294: {  	s3 =	rddreg [dreg:$0x2];
	[bflag:$0x3] =	sbarrier.arrive $0xFFFF;
	s2 =	simm.s32 @!p0 $0x1C13  }
0x295: {  	[timem:s3], [sflag:s2] =	dma.local @!p0 [hbm:s0], s1  }
0x296: {  	s0 =	simm.s32 @!p0 $0x13  }
0x297: {  	_ =	swait.ge @!p0 [sflag:s0], s1  }
0x298: {  	s1 =	ssub.s32 @!p0 $0x0, s1;
	[sflag:s0] =	ssyncset.done @!p0 $0x0  }
0x299: {  	[sflag:s0] =	ssyncadd.s32 @!p0 s1  }
0x29a: {  	[bflag:$0x3] =	sbarrier.arrive $0xFFFF  }
0x29b: {  	_ =	shalt  }

</sc_bundles>
